<compile_context>
chip_gen: v7x
topology: tpu7x:2x2x1
jax: 0.10.2.dev20260603
libtpu: 0.0.44.dev20260713+nightly
codegen_flags: <defaults>
</compile_context>

<pallas_src>
import functools

import jax
import jax.numpy as jnp
from jax import lax
from jax.experimental import pallas as pl
from jax.experimental.pallas import tpu as pltpu
from jax.experimental.pallas import tpu_sc as plsc

_VOCAB = 1000
_VPAD = 1024
_D = 10
_B = 16384
_NC, _NS, _L = 2, 16, 16
_NW = _NC * _NS
_BPW = _B // _NW
_GROUPS = _BPW // _L
_TFLAT = _D * _VPAD


def _tables_body(emb_ref, w1_ref, b1_ref, w2_ref, b2_ref,
                 ptabt_ref, etabt_ref):
    pt = lax.dot_general(w1_ref[...], emb_ref[...], (((1,), (1,)), ((), ())),
                         preferred_element_type=jnp.float32) + b1_ref[...][:, None]
    tt = jnp.tanh(pt)
    st = lax.dot_general(w2_ref[...], tt, (((1,), (0,)), ((), ())),
                         preferred_element_type=jnp.float32) + b2_ref[...][:, None]
    pad = jnp.zeros((_D, _VPAD - _VOCAB), jnp.float32)
    ptabt_ref[...] = jnp.concatenate([pt, pad], axis=1).reshape(_TFLAT // 128, 128)
    etabt_ref[...] = jnp.concatenate([tt + st, pad], axis=1).reshape(_TFLAT // 128, 128)


_tables = pl.pallas_call(
    _tables_body,
    out_shape=[jax.ShapeDtypeStruct((_TFLAT // 128, 128), jnp.float32),
               jax.ShapeDtypeStruct((_TFLAT // 128, 128), jnp.float32)],
)


def _rsqrt_nr(x):
    i = plsc.bitcast(x, jnp.int32)
    i = jnp.int32(0x5F3759DF) - lax.shift_right_logical(i, 1)
    y = plsc.bitcast(i, jnp.float32)
    for _ in range(3):
        y = y * (1.5 - 0.5 * x * y * y)
    return y


_sc_mesh = plsc.VectorSubcoreMesh(core_axis_name="c", subcore_axis_name="s")


@functools.partial(
    pl.kernel,
    mesh=_sc_mesh,
    compiler_params=pltpu.CompilerParams(needs_layout_passes=False),
    out_type=[jax.ShapeDtypeStruct((_B * _D,), jnp.float32),
              jax.ShapeDtypeStruct((_B * _D,), jnp.float32),
              jax.ShapeDtypeStruct((_B,), jnp.float32),
              jax.ShapeDtypeStruct((_NW * _L,), jnp.float32)],
    scratch_types=[
        pltpu.VMEM((_BPW,), jnp.int32),
        pltpu.VMEM((_BPW,), jnp.int32),
        pltpu.VMEM((_TFLAT,), jnp.float32),
        pltpu.VMEM((_TFLAT,), jnp.float32),
        pltpu.VMEM((_BPW * _D,), jnp.float32),
        pltpu.VMEM((_BPW * _D,), jnp.float32),
        pltpu.VMEM((_BPW,), jnp.float32),
        pltpu.VMEM((_L,), jnp.float32),
    ],
)
def _sc_main(ptabt_hbm, etabt_hbm, idx1_hbm, idx2_hbm,
             x1_hbm, emb_hbm, cos_hbm, parts_hbm,
             idx1_v, idx2_v, ptabt_v, etabt_v,
             out1_v, out2_v, cos_v, acc_v):
    cid = lax.axis_index("c")
    sid = lax.axis_index("s")
    wid = sid * _NC + cid
    base = wid * _BPW

    pltpu.sync_copy(idx1_hbm.at[pl.ds(base, _BPW)], idx1_v)
    pltpu.sync_copy(idx2_hbm.at[pl.ds(base, _BPW)], idx2_v)
    pltpu.sync_copy(ptabt_hbm, ptabt_v)
    pltpu.sync_copy(etabt_hbm, etabt_v)

    def group(g, dist_acc):
        o = g * _L
        i1v = idx1_v[pl.ds(o, _L)]
        i2v = idx2_v[pl.ds(o, _L)]
        def jstep(j, carry):
            dotv, n1v, n2v = carry
            r1 = plsc.load_gather(ptabt_v, [i1v + j * _VPAD])
            r2 = plsc.load_gather(etabt_v, [i2v + j * _VPAD])
            out1_v[pl.ds(j * _BPW + o, _L)] = r1
            out2_v[pl.ds(j * _BPW + o, _L)] = r2
            return (dotv + r1 * r2, n1v + r1 * r1, n2v + r2 * r2)

        zz = jnp.zeros((_L,), jnp.float32)
        dotv, n1v, n2v = lax.fori_loop(0, _D, jstep, (zz, zz, zz))
        q = jnp.maximum(n1v * n2v, jnp.float32(1e-16))
        cos_v[pl.ds(o, _L)] = dotv * _rsqrt_nr(q)
        return dist_acc + (n1v + n2v - 2.0 * dotv)

    dist_vec = lax.fori_loop(0, _GROUPS, group,
                             jnp.zeros((_L,), jnp.float32))
    acc_v[...] = dist_vec

    for j in range(_D):
        src = pl.ds(j * _BPW, _BPW)
        pltpu.sync_copy(out1_v.at[src], x1_hbm.at[pl.ds(j * _B + base, _BPW)])
        pltpu.sync_copy(out2_v.at[src], emb_hbm.at[pl.ds(j * _B + base, _BPW)])
    pltpu.sync_copy(cos_v, cos_hbm.at[pl.ds(base, _BPW)])
    pltpu.sync_copy(acc_v, parts_hbm.at[pl.ds(wid * _L, _L)])


def _finish_body(p_ref, cos_ref, parts_ref, sims_ref):
    dist = jnp.sqrt(jnp.maximum(jnp.sum(parts_ref[...]), 0.0))
    sims_ref[...] = p_ref[0] * cos_ref[...] + p_ref[1] * dist


_finish = pl.pallas_call(
    _finish_body,
    in_specs=[pl.BlockSpec(memory_space=pltpu.SMEM),
              pl.BlockSpec(memory_space=pltpu.VMEM),
              pl.BlockSpec(memory_space=pltpu.VMEM)],
    out_shape=jax.ShapeDtypeStruct((_B,), jnp.float32),
)


def kernel(DPTD_name_1, DPTD_name_2, emb_table, W1, b1, W2, b2, p):
    idx1 = DPTD_name_1.astype(jnp.int32)
    idx2 = DPTD_name_2.astype(jnp.int32)
    ptabt, etabt = _tables(emb_table, W1, b1, W2, b2)
    x1cm, embcm, cos, parts = _sc_main(
        ptabt.reshape(_TFLAT), etabt.reshape(_TFLAT), idx1, idx2)
    sims = _finish(p, cos, parts)
    x1 = x1cm.reshape(_D, _B).T
    emb = embcm.reshape(_D, _B).T
    return (sims, x1, emb)

# --- scband reference (transcript-rebuilt; emitter-appended) ---
"""Pipeline reference for scband-matrix-calculate-38732015075365 (READ-ONLY COPY).

The authoritative reference and input builder live on the scoring server;
editing this copy changes nothing except your own understanding.
"""

import jax, jax.numpy as jnp
import numpy as np

VOCAB = 1000
EMBED_DIM = 128
BATCH = 16384
IDX_MAX = 960


def setup_inputs(seed: int = 0) -> dict:
    key = jax.random.key(seed)
    k1, k2, k3, k4, k5 = jax.random.split(key, 5)
    DPTD_name_1 = jax.random.randint(k1, (BATCH,), 0, IDX_MAX)
    DPTD_name_2 = jax.random.randint(k2, (BATCH,), 0, IDX_MAX)
    # learned parameters sized per init_kwargs
    emb_table = jax.random.normal(k3, (VOCAB, EMBED_DIM), dtype=jnp.float32)
    lim1 = 1.0 / np.sqrt(EMBED_DIM)
    W1 = jax.random.uniform(k4, (10, EMBED_DIM), minval=-lim1, maxval=lim1, dtype=jnp.float32)
    b1 = jnp.zeros((10,), dtype=jnp.float32)
    lim2 = 1.0 / np.sqrt(10.0)
    W2 = jax.random.uniform(k5, (1, 10), minval=-lim2, maxval=lim2, dtype=jnp.float32)
    b2 = jnp.zeros((1,), dtype=jnp.float32)
    p = jnp.array([0.5, 0.5], dtype=jnp.float32)
    return {"DPTD_name_1": DPTD_name_1, "DPTD_name_2": DPTD_name_2,
            "emb_table": emb_table, "W1": W1, "b1": b1, "W2": W2, "b2": b2, "p": p}


def reference(DPTD_name_1, DPTD_name_2, emb_table, W1, b1, W2, b2, p):
    # embedding lookups (SparseCore gather)
    e1 = jnp.take(emb_table, DPTD_name_1, axis=0)          # [B, 128]
    e2 = jnp.take(emb_table, DPTD_name_2, axis=0)          # [B, 128]
    x1 = e1 @ W1.T + b1                                     # [B, 10]
    x2 = jnp.tanh(e2 @ W1.T + b1)                           # [B, 10]
    x3 = x2 @ W2.T + b2                                     # [B, 1]
    emb = x3 + x2                                           # broadcast -> [B, 10]
    # torch.nn.CosineSimilarity(dim=1, eps=1e-8)
    dot = jnp.sum(x1 * emb, axis=1)
    n1 = jnp.sqrt(jnp.sum(x1 * x1, axis=1))
    n2 = jnp.sqrt(jnp.sum(emb * emb, axis=1))
    cos = dot / jnp.maximum(n1 * n2, 1e-8)                  # [B]
    # torch.dist(a, b) -> scalar Frobenius norm of difference
    dist = jnp.sqrt(jnp.sum((x1 - emb) ** 2))
    sims = p[0] * cos + p[1] * dist                         # [B]
    return (sims, x1, emb)

if __name__ == "__main__":
    import jax
    _d = setup_inputs()
    print(jax.jit(kernel)(*tuple(_d.values())))

</pallas_src>

<mosaic_0001>
#map = affine_map<(d0, d1) -> (0)>
module attributes {stable_mosaic.version = 14 : i64} {
  func.func @_sc_main(%arg0: i32, %arg1: i32, %arg2: memref<10240xf32, #tpu.memory_space<hbm>>, %arg3: memref<10240xf32, #tpu.memory_space<hbm>>, %arg4: memref<16384xi32, #tpu.memory_space<hbm>>, %arg5: memref<16384xi32, #tpu.memory_space<hbm>>, %arg6: memref<163840xf32, #tpu.memory_space<hbm>>, %arg7: memref<163840xf32, #tpu.memory_space<hbm>>, %arg8: memref<16384xf32, #tpu.memory_space<hbm>>, %arg9: memref<512xf32, #tpu.memory_space<hbm>>, %arg10: memref<512xi32, #tpu.memory_space<vmem>>, %arg11: memref<512xi32, #tpu.memory_space<vmem>>, %arg12: memref<10240xf32, #tpu.memory_space<vmem>>, %arg13: memref<10240xf32, #tpu.memory_space<vmem>>, %arg14: memref<5120xf32, #tpu.memory_space<vmem>>, %arg15: memref<5120xf32, #tpu.memory_space<vmem>>, %arg16: memref<512xf32, #tpu.memory_space<vmem>>, %arg17: memref<16xf32, #tpu.memory_space<vmem>>) attributes {dimension_semantics = [#tpu.dimension_semantics<core_parallel>, #tpu.dimension_semantics<subcore_parallel>], iteration_bounds = array<i64: 2, 16>, scalar_prefetch = 0 : i64, scratch_operands = 8 : i64, tpu.core_type = #tpu.core_type<sc_vector_subcore>, window_params = [{transform_indices = #map}, {transform_indices = #map}, {transform_indices = #map}, {transform_indices = #map}, {transform_indices = #map}, {transform_indices = #map}, {transform_indices = #map}, {transform_indices = #map}]} {
    %mul3A = arith.constant 2 : i32
    %mul3A_0 = arith.muli %arg1, %mul3A : i32
    %add3A = arith.addi %mul3A_0, %arg0 : i32
    %mul3A_1 = arith.constant 512 : i32
    %mul3A_2 = arith.muli %add3A, %mul3A_1 : i32
    "tpu.region"() ({
      %run_scoped3A = tpu.sem_alloc : memref<!tpu.dma_semaphore, #tpu.memory_space<semaphore_mem>>
      %dma_start3A = tpu.memref_slice %arg4[%mul3A_2] : memref<16384xi32, #tpu.memory_space<hbm>> -> memref<512xi32, #tpu.memory_space<hbm>>
      %dma_start3A_52 = tpu.memref_slice %arg4[%mul3A_2] : memref<16384xi32, #tpu.memory_space<hbm>> -> memref<512xi32, #tpu.memory_space<hbm>>
      tpu.enqueue_dma source(%dma_start3A_52 : memref<512xi32, #tpu.memory_space<hbm>>) target(%arg10 : memref<512xi32, #tpu.memory_space<vmem>>) target_semaphore(%run_scoped3A : memref<!tpu.dma_semaphore, #tpu.memory_space<semaphore_mem>>)
      %dma_wait3A = tpu.memref_slice %arg4[%mul3A_2] : memref<16384xi32, #tpu.memory_space<hbm>> -> memref<512xi32, #tpu.memory_space<hbm>>
      %dma_wait3A_53 = tpu.memref_slice %arg4[%mul3A_2] : memref<16384xi32, #tpu.memory_space<hbm>> -> memref<512xi32, #tpu.memory_space<hbm>>
      tpu.wait_dma2 semaphore(%run_scoped3A : memref<!tpu.dma_semaphore, #tpu.memory_space<semaphore_mem>>) src(%dma_wait3A_53 : memref<512xi32, #tpu.memory_space<hbm>>) dst(%arg10 : memref<512xi32, #tpu.memory_space<vmem>>)
      tpu.yield
    }) : () -> ()
    "tpu.region"() ({
      %run_scoped3A = tpu.sem_alloc : memref<!tpu.dma_semaphore, #tpu.memory_space<semaphore_mem>>
      %dma_start3A = tpu.memref_slice %arg5[%mul3A_2] : memref<16384xi32, #tpu.memory_space<hbm>> -> memref<512xi32, #tpu.memory_space<hbm>>
      %dma_start3A_52 = tpu.memref_slice %arg5[%mul3A_2] : memref<16384xi32, #tpu.memory_space<hbm>> -> memref<512xi32, #tpu.memory_space<hbm>>
      tpu.enqueue_dma source(%dma_start3A_52 : memref<512xi32, #tpu.memory_space<hbm>>) target(%arg11 : memref<512xi32, #tpu.memory_space<vmem>>) target_semaphore(%run_scoped3A : memref<!tpu.dma_semaphore, #tpu.memory_space<semaphore_mem>>)
      %dma_wait3A = tpu.memref_slice %arg5[%mul3A_2] : memref<16384xi32, #tpu.memory_space<hbm>> -> memref<512xi32, #tpu.memory_space<hbm>>
      %dma_wait3A_53 = tpu.memref_slice %arg5[%mul3A_2] : memref<16384xi32, #tpu.memory_space<hbm>> -> memref<512xi32, #tpu.memory_space<hbm>>
      tpu.wait_dma2 semaphore(%run_scoped3A : memref<!tpu.dma_semaphore, #tpu.memory_space<semaphore_mem>>) src(%dma_wait3A_53 : memref<512xi32, #tpu.memory_space<hbm>>) dst(%arg11 : memref<512xi32, #tpu.memory_space<vmem>>)
      tpu.yield
    }) : () -> ()
    "tpu.region"() ({
      %run_scoped3A = tpu.sem_alloc : memref<!tpu.dma_semaphore, #tpu.memory_space<semaphore_mem>>
      tpu.enqueue_dma source(%arg2 : memref<10240xf32, #tpu.memory_space<hbm>>) target(%arg12 : memref<10240xf32, #tpu.memory_space<vmem>>) target_semaphore(%run_scoped3A : memref<!tpu.dma_semaphore, #tpu.memory_space<semaphore_mem>>)
      tpu.wait_dma2 semaphore(%run_scoped3A : memref<!tpu.dma_semaphore, #tpu.memory_space<semaphore_mem>>) src(%arg2 : memref<10240xf32, #tpu.memory_space<hbm>>) dst(%arg12 : memref<10240xf32, #tpu.memory_space<vmem>>)
      tpu.yield
    }) : () -> ()
    "tpu.region"() ({
      %run_scoped3A = tpu.sem_alloc : memref<!tpu.dma_semaphore, #tpu.memory_space<semaphore_mem>>
      tpu.enqueue_dma source(%arg3 : memref<10240xf32, #tpu.memory_space<hbm>>) target(%arg13 : memref<10240xf32, #tpu.memory_space<vmem>>) target_semaphore(%run_scoped3A : memref<!tpu.dma_semaphore, #tpu.memory_space<semaphore_mem>>)
      tpu.wait_dma2 semaphore(%run_scoped3A : memref<!tpu.dma_semaphore, #tpu.memory_space<semaphore_mem>>) src(%arg3 : memref<10240xf32, #tpu.memory_space<hbm>>) dst(%arg13 : memref<10240xf32, #tpu.memory_space<vmem>>)
      tpu.yield
    }) : () -> ()
    %broadcast_in_dim3A = arith.constant 0.000000e+00 : f32
    %broadcast_in_dim3A_3 = vector.broadcast %broadcast_in_dim3A : f32 to vector<16xf32>
    %scan3A = arith.constant 0 : i32
    %scan3A_4 = arith.constant 32 : i32
    %scan3A_5 = arith.addi %scan3A, %scan3A_4 : i32
    %scan3A_6 = arith.constant 1 : i32
    %scan3A_7 = scf.for %scan3A_52 = %scan3A to %scan3A_5 step %scan3A_6 iter_args(%scan3A_53 = %broadcast_in_dim3A_3) -> (vector<16xf32>)  : i32 {
      %mul3A_54 = arith.constant 16 : i32
      %mul3A_55 = arith.muli %scan3A_52, %mul3A_54 : i32
      %get3A = arith.index_cast %mul3A_55 : i32 to index
      %get3A_56 = tpu.vector_load %arg10[%get3A] {strides = array<i32>} : memref<512xi32, #tpu.memory_space<vmem>>, vector<16xi32>,
      %get3A_57 = arith.index_cast %mul3A_55 : i32 to index
      %get3A_58 = tpu.vector_load %arg11[%get3A_57] {strides = array<i32>} : memref<512xi32, #tpu.memory_space<vmem>>, vector<16xi32>,
      %broadcast_in_dim3A_59 = arith.constant 0.000000e+00 : f32
      %broadcast_in_dim3A_60 = vector.broadcast %broadcast_in_dim3A_59 : f32 to vector<16xf32>
      %scan3A_61 = arith.constant 0 : i32
      %scan3A_62 = arith.constant 10 : i32
      %scan3A_63 = arith.addi %scan3A_61, %scan3A_62 : i32
      %scan3A_64 = arith.constant 1 : i32
      %scan3A_65:3 = scf.for %scan3A_111 = %scan3A_61 to %scan3A_63 step %scan3A_64 iter_args(%scan3A_112 = %broadcast_in_dim3A_60, %scan3A_113 = %broadcast_in_dim3A_60, %scan3A_114 = %broadcast_in_dim3A_60) -> (vector<16xf32>, vector<16xf32>, vector<16xf32>)  : i32 {
        %mul3A_115 = arith.constant 1024 : i32
        %mul3A_116 = arith.muli %scan3A_111, %mul3A_115 : i32
        %add3A_117 = vector.broadcast %mul3A_116 : i32 to vector<16xi32>
        %add3A_118 = arith.addi %get3A_56, %add3A_117 : vector<16xi32>
        %gather3A = tpu.vector_load_idx %arg12[%add3A_118] : memref<10240xf32, #tpu.memory_space<vmem>>[vector<16xi32>], vector<16xf32>,
        %mul3A_119 = arith.constant 1024 : i32
        %mul3A_120 = arith.muli %scan3A_111, %mul3A_119 : i32
        %add3A_121 = vector.broadcast %mul3A_120 : i32 to vector<16xi32>
        %add3A_122 = arith.addi %get3A_58, %add3A_121 : vector<16xi32>
        %gather3A_123 = tpu.vector_load_idx %arg13[%add3A_122] : memref<10240xf32, #tpu.memory_space<vmem>>[vector<16xi32>], vector<16xf32>,
        %mul3A_124 = arith.constant 512 : i32
        %mul3A_125 = arith.muli %scan3A_111, %mul3A_124 : i32
        %add3A_126 = arith.addi %mul3A_125, %mul3A_55 : i32
        %swap3A_127 = arith.index_cast %add3A_126 : i32 to index
        %swap3A_128 = tpu.vector_load %arg14[%swap3A_127] {strides = array<i32>} : memref<5120xf32, #tpu.memory_space<vmem>>, vector<16xf32>,
        tpu.vector_store %arg14[%swap3A_127], %gather3A {strides = array<i32>} : memref<5120xf32, #tpu.memory_space<vmem>>, vector<16xf32>,
        %mul3A_129 = arith.constant 512 : i32
        %mul3A_130 = arith.muli %scan3A_111, %mul3A_129 : i32
        %add3A_131 = arith.addi %mul3A_130, %mul3A_55 : i32
        %swap3A_132 = arith.index_cast %add3A_131 : i32 to index
        %swap3A_133 = tpu.vector_load %arg15[%swap3A_132] {strides = array<i32>} : memref<5120xf32, #tpu.memory_space<vmem>>, vector<16xf32>,
        tpu.vector_store %arg15[%swap3A_132], %gather3A_123 {strides = array<i32>} : memref<5120xf32, #tpu.memory_space<vmem>>, vector<16xf32>,
        %mul3A_134 = arith.mulf %gather3A, %gather3A_123 : vector<16xf32>
        %add3A_135 = arith.addf %scan3A_112, %mul3A_134 : vector<16xf32>
        %mul3A_136 = arith.mulf %gather3A, %gather3A : vector<16xf32>
        %add3A_137 = arith.addf %scan3A_113, %mul3A_136 : vector<16xf32>
        %mul3A_138 = arith.mulf %gather3A_123, %gather3A_123 : vector<16xf32>
        %add3A_139 = arith.addf %scan3A_114, %mul3A_138 : vector<16xf32>
        scf.yield %add3A_135, %add3A_137, %add3A_139 : vector<16xf32>, vector<16xf32>, vector<16xf32>
      }
      %scan3A_66 = arith.constant 10 : i32
      %mul3A_67 = arith.mulf %scan3A_65#1, %scan3A_65#2 : vector<16xf32>
      %max3A = arith.constant 1.000000e-16 : f32
      %max3A_68 = vector.broadcast %max3A : f32 to vector<16xf32>
      %max3A_69 = arith.maximumf %mul3A_67, %max3A_68 : vector<16xf32>
      %bitcast3A = vector.bitcast %max3A_69 : vector<16xf32> to vector<16xi32>
      %shift_right_logical3A = arith.constant 1 : i32
      %shift_right_logical3A_70 = vector.broadcast %shift_right_logical3A : i32 to vector<16xi32>
      %shift_right_logical3A_71 = arith.shrui %bitcast3A, %shift_right_logical3A_70 : vector<16xi32>
      %sub3A = arith.constant 1597463007 : i32
      %sub3A_72 = vector.broadcast %sub3A : i32 to vector<16xi32>
      %sub3A_73 = arith.subi %sub3A_72, %shift_right_logical3A_71 : vector<16xi32>
      %bitcast3A_74 = vector.bitcast %sub3A_73 : vector<16xi32> to vector<16xf32>
      %mul3A_75 = arith.constant 5.000000e-01 : f32
      %mul3A_76 = vector.broadcast %mul3A_75 : f32 to vector<16xf32>
      %mul3A_77 = arith.mulf %mul3A_76, %max3A_69 : vector<16xf32>
      %mul3A_78 = arith.mulf %mul3A_77, %bitcast3A_74 : vector<16xf32>
      %mul3A_79 = arith.mulf %mul3A_78, %bitcast3A_74 : vector<16xf32>
      %sub3A_80 = arith.constant 1.500000e+00 : f32
      %sub3A_81 = vector.broadcast %sub3A_80 : f32 to vector<16xf32>
      %sub3A_82 = arith.subf %sub3A_81, %mul3A_79 : vector<16xf32>
      %mul3A_83 = arith.mulf %bitcast3A_74, %sub3A_82 : vector<16xf32>
      %mul3A_84 = arith.constant 5.000000e-01 : f32
      %mul3A_85 = vector.broadcast %mul3A_84 : f32 to vector<16xf32>
      %mul3A_86 = arith.mulf %mul3A_85, %max3A_69 : vector<16xf32>
      %mul3A_87 = arith.mulf %mul3A_86, %mul3A_83 : vector<16xf32>
      %mul3A_88 = arith.mulf %mul3A_87, %mul3A_83 : vector<16xf32>
      %sub3A_89 = arith.constant 1.500000e+00 : f32
      %sub3A_90 = vector.broadcast %sub3A_89 : f32 to vector<16xf32>
      %sub3A_91 = arith.subf %sub3A_90, %mul3A_88 : vector<16xf32>
      %mul3A_92 = arith.mulf %mul3A_83, %sub3A_91 : vector<16xf32>
      %mul3A_93 = arith.constant 5.000000e-01 : f32
      %mul3A_94 = vector.broadcast %mul3A_93 : f32 to vector<16xf32>
      %mul3A_95 = arith.mulf %mul3A_94, %max3A_69 : vector<16xf32>
      %mul3A_96 = arith.mulf %mul3A_95, %mul3A_92 : vector<16xf32>
      %mul3A_97 = arith.mulf %mul3A_96, %mul3A_92 : vector<16xf32>
      %sub3A_98 = arith.constant 1.500000e+00 : f32
      %sub3A_99 = vector.broadcast %sub3A_98 : f32 to vector<16xf32>
      %sub3A_100 = arith.subf %sub3A_99, %mul3A_97 : vector<16xf32>
      %mul3A_101 = arith.mulf %mul3A_92, %sub3A_100 : vector<16xf32>
      %mul3A_102 = arith.mulf %scan3A_65#0, %mul3A_101 : vector<16xf32>
      %swap3A_103 = arith.index_cast %mul3A_55 : i32 to index
      %swap3A_104 = tpu.vector_load %arg16[%swap3A_103] {strides = array<i32>} : memref<512xf32, #tpu.memory_space<vmem>>, vector<16xf32>,
      tpu.vector_store %arg16[%swap3A_103], %mul3A_102 {strides = array<i32>} : memref<512xf32, #tpu.memory_space<vmem>>, vector<16xf32>,
      %add3A_105 = arith.addf %scan3A_65#1, %scan3A_65#2 : vector<16xf32>
      %mul3A_106 = arith.constant 2.000000e+00 : f32
      %mul3A_107 = vector.broadcast %mul3A_106 : f32 to vector<16xf32>
      %mul3A_108 = arith.mulf %mul3A_107, %scan3A_65#0 : vector<16xf32>
      %sub3A_109 = arith.subf %add3A_105, %mul3A_108 : vector<16xf32>
      %add3A_110 = arith.addf %scan3A_53, %sub3A_109 : vector<16xf32>
      scf.yield %add3A_110 : vector<16xf32>
    }
    %scan3A_8 = arith.constant 32 : i32
    %swap3A = arith.constant 0 : index
    %swap3A_9 = tpu.vector_load %arg17[%swap3A] {strides = array<i32>} : memref<16xf32, #tpu.memory_space<vmem>>, vector<16xf32>,
    tpu.vector_store %arg17[%swap3A], %scan3A_7 {strides = array<i32>} : memref<16xf32, #tpu.memory_space<vmem>>, vector<16xf32>,
    %add3A_10 = arith.constant 0 : i32
    %add3A_11 = arith.addi %add3A_10, %mul3A_2 : i32
    "tpu.region"() ({
      %run_scoped3A = tpu.sem_alloc : memref<!tpu.dma_semaphore, #tpu.memory_space<semaphore_mem>>
      %dma_start3A = arith.constant 0 : i32
      %dma_start3A_52 = tpu.memref_slice %arg14[%dma_start3A] : memref<5120xf32, #tpu.memory_space<vmem>> -> memref<512xf32, #tpu.memory_space<vmem>>
      %dma_start3A_53 = tpu.memref_slice %arg6[%add3A_11] : memref<163840xf32, #tpu.memory_space<hbm>> -> memref<512xf32, #tpu.memory_space<hbm>>
      %dma_start3A_54 = tpu.memref_slice %arg6[%add3A_11] : memref<163840xf32, #tpu.memory_space<hbm>> -> memref<512xf32, #tpu.memory_space<hbm>>
      %dma_start3A_55 = arith.constant 0 : i32
      %dma_start3A_56 = tpu.memref_slice %arg14[%dma_start3A_55] : memref<5120xf32, #tpu.memory_space<vmem>> -> memref<512xf32, #tpu.memory_space<vmem>>
      tpu.enqueue_dma source(%dma_start3A_56 : memref<512xf32, #tpu.memory_space<vmem>>) target(%dma_start3A_54 : memref<512xf32, #tpu.memory_space<hbm>>) target_semaphore(%run_scoped3A : memref<!tpu.dma_semaphore, #tpu.memory_space<semaphore_mem>>)
      %dma_wait3A = arith.constant 0 : i32
      %dma_wait3A_57 = tpu.memref_slice %arg14[%dma_wait3A] : memref<5120xf32, #tpu.memory_space<vmem>> -> memref<512xf32, #tpu.memory_space<vmem>>
      %dma_wait3A_58 = tpu.memref_slice %arg6[%add3A_11] : memref<163840xf32, #tpu.memory_space<hbm>> -> memref<512xf32, #tpu.memory_space<hbm>>
      %dma_wait3A_59 = tpu.memref_slice %arg6[%add3A_11] : memref<163840xf32, #tpu.memory_space<hbm>> -> memref<512xf32, #tpu.memory_space<hbm>>
      %dma_wait3A_60 = arith.constant 0 : i32
      %dma_wait3A_61 = tpu.memref_slice %arg14[%dma_wait3A_60] : memref<5120xf32, #tpu.memory_space<vmem>> -> memref<512xf32, #tpu.memory_space<vmem>>
      tpu.wait_dma2 semaphore(%run_scoped3A : memref<!tpu.dma_semaphore, #tpu.memory_space<semaphore_mem>>) src(%dma_wait3A_61 : memref<512xf32, #tpu.memory_space<vmem>>) dst(%dma_wait3A_59 : memref<512xf32, #tpu.memory_space<hbm>>)
      tpu.yield
    }) : () -> ()
    %add3A_12 = arith.constant 0 : i32
    %add3A_13 = arith.addi %add3A_12, %mul3A_2 : i32
    "tpu.region"() ({
      %run_scoped3A = tpu.sem_alloc : memref<!tpu.dma_semaphore, #tpu.memory_space<semaphore_mem>>
      %dma_start3A = arith.constant 0 : i32
      %dma_start3A_52 = tpu.memref_slice %arg15[%dma_start3A] : memref<5120xf32, #tpu.memory_space<vmem>> -> memref<512xf32, #tpu.memory_space<vmem>>
      %dma_start3A_53 = tpu.memref_slice %arg7[%add3A_13] : memref<163840xf32, #tpu.memory_space<hbm>> -> memref<512xf32, #tpu.memory_space<hbm>>
      %dma_start3A_54 = tpu.memref_slice %arg7[%add3A_13] : memref<163840xf32, #tpu.memory_space<hbm>> -> memref<512xf32, #tpu.memory_space<hbm>>
      %dma_start3A_55 = arith.constant 0 : i32
      %dma_start3A_56 = tpu.memref_slice %arg15[%dma_start3A_55] : memref<5120xf32, #tpu.memory_space<vmem>> -> memref<512xf32, #tpu.memory_space<vmem>>
      tpu.enqueue_dma source(%dma_start3A_56 : memref<512xf32, #tpu.memory_space<vmem>>) target(%dma_start3A_54 : memref<512xf32, #tpu.memory_space<hbm>>) target_semaphore(%run_scoped3A : memref<!tpu.dma_semaphore, #tpu.memory_space<semaphore_mem>>)
      %dma_wait3A = arith.constant 0 : i32
      %dma_wait3A_57 = tpu.memref_slice %arg15[%dma_wait3A] : memref<5120xf32, #tpu.memory_space<vmem>> -> memref<512xf32, #tpu.memory_space<vmem>>
      %dma_wait3A_58 = tpu.memref_slice %arg7[%add3A_13] : memref<163840xf32, #tpu.memory_space<hbm>> -> memref<512xf32, #tpu.memory_space<hbm>>
      %dma_wait3A_59 = tpu.memref_slice %arg7[%add3A_13] : memref<163840xf32, #tpu.memory_space<hbm>> -> memref<512xf32, #tpu.memory_space<hbm>>
      %dma_wait3A_60 = arith.constant 0 : i32
      %dma_wait3A_61 = tpu.memref_slice %arg15[%dma_wait3A_60] : memref<5120xf32, #tpu.memory_space<vmem>> -> memref<512xf32, #tpu.memory_space<vmem>>
      tpu.wait_dma2 semaphore(%run_scoped3A : memref<!tpu.dma_semaphore, #tpu.memory_space<semaphore_mem>>) src(%dma_wait3A_61 : memref<512xf32, #tpu.memory_space<vmem>>) dst(%dma_wait3A_59 : memref<512xf32, #tpu.memory_space<hbm>>)
      tpu.yield
    }) : () -> ()
    %add3A_14 = arith.constant 16384 : i32
    %add3A_15 = arith.addi %add3A_14, %mul3A_2 : i32
    "tpu.region"() ({
      %run_scoped3A = tpu.sem_alloc : memref<!tpu.dma_semaphore, #tpu.memory_space<semaphore_mem>>
      %dma_start3A = arith.constant 512 : i32
      %dma_start3A_52 = tpu.memref_slice %arg14[%dma_start3A] : memref<5120xf32, #tpu.memory_space<vmem>> -> memref<512xf32, #tpu.memory_space<vmem>>
      %dma_start3A_53 = tpu.memref_slice %arg6[%add3A_15] : memref<163840xf32, #tpu.memory_space<hbm>> -> memref<512xf32, #tpu.memory_space<hbm>>
      %dma_start3A_54 = tpu.memref_slice %arg6[%add3A_15] : memref<163840xf32, #tpu.memory_space<hbm>> -> memref<512xf32, #tpu.memory_space<hbm>>
      %dma_start3A_55 = arith.constant 512 : i32
      %dma_start3A_56 = tpu.memref_slice %arg14[%dma_start3A_55] : memref<5120xf32, #tpu.memory_space<vmem>> -> memref<512xf32, #tpu.memory_space<vmem>>
      tpu.enqueue_dma source(%dma_start3A_56 : memref<512xf32, #tpu.memory_space<vmem>>) target(%dma_start3A_54 : memref<512xf32, #tpu.memory_space<hbm>>) target_semaphore(%run_scoped3A : memref<!tpu.dma_semaphore, #tpu.memory_space<semaphore_mem>>)
      %dma_wait3A = arith.constant 512 : i32
      %dma_wait3A_57 = tpu.memref_slice %arg14[%dma_wait3A] : memref<5120xf32, #tpu.memory_space<vmem>> -> memref<512xf32, #tpu.memory_space<vmem>>
      %dma_wait3A_58 = tpu.memref_slice %arg6[%add3A_15] : memref<163840xf32, #tpu.memory_space<hbm>> -> memref<512xf32, #tpu.memory_space<hbm>>
      %dma_wait3A_59 = tpu.memref_slice %arg6[%add3A_15] : memref<163840xf32, #tpu.memory_space<hbm>> -> memref<512xf32, #tpu.memory_space<hbm>>
      %dma_wait3A_60 = arith.constant 512 : i32
      %dma_wait3A_61 = tpu.memref_slice %arg14[%dma_wait3A_60] : memref<5120xf32, #tpu.memory_space<vmem>> -> memref<512xf32, #tpu.memory_space<vmem>>
      tpu.wait_dma2 semaphore(%run_scoped3A : memref<!tpu.dma_semaphore, #tpu.memory_space<semaphore_mem>>) src(%dma_wait3A_61 : memref<512xf32, #tpu.memory_space<vmem>>) dst(%dma_wait3A_59 : memref<512xf32, #tpu.memory_space<hbm>>)
      tpu.yield
    }) : () -> ()
    %add3A_16 = arith.constant 16384 : i32
    %add3A_17 = arith.addi %add3A_16, %mul3A_2 : i32
    "tpu.region"() ({
      %run_scoped3A = tpu.sem_alloc : memref<!tpu.dma_semaphore, #tpu.memory_space<semaphore_mem>>
      %dma_start3A = arith.constant 512 : i32
      %dma_start3A_52 = tpu.memref_slice %arg15[%dma_start3A] : memref<5120xf32, #tpu.memory_space<vmem>> -> memref<512xf32, #tpu.memory_space<vmem>>
      %dma_start3A_53 = tpu.memref_slice %arg7[%add3A_17] : memref<163840xf32, #tpu.memory_space<hbm>> -> memref<512xf32, #tpu.memory_space<hbm>>
      %dma_start3A_54 = tpu.memref_slice %arg7[%add3A_17] : memref<163840xf32, #tpu.memory_space<hbm>> -> memref<512xf32, #tpu.memory_space<hbm>>
      %dma_start3A_55 = arith.constant 512 : i32
      %dma_start3A_56 = tpu.memref_slice %arg15[%dma_start3A_55] : memref<5120xf32, #tpu.memory_space<vmem>> -> memref<512xf32, #tpu.memory_space<vmem>>
      tpu.enqueue_dma source(%dma_start3A_56 : memref<512xf32, #tpu.memory_space<vmem>>) target(%dma_start3A_54 : memref<512xf32, #tpu.memory_space<hbm>>) target_semaphore(%run_scoped3A : memref<!tpu.dma_semaphore, #tpu.memory_space<semaphore_mem>>)
      %dma_wait3A = arith.constant 512 : i32
      %dma_wait3A_57 = tpu.memref_slice %arg15[%dma_wait3A] : memref<5120xf32, #tpu.memory_space<vmem>> -> memref<512xf32, #tpu.memory_space<vmem>>
      %dma_wait3A_58 = tpu.memref_slice %arg7[%add3A_17] : memref<163840xf32, #tpu.memory_space<hbm>> -> memref<512xf32, #tpu.memory_space<hbm>>
      %dma_wait3A_59 = tpu.memref_slice %arg7[%add3A_17] : memref<163840xf32, #tpu.memory_space<hbm>> -> memref<512xf32, #tpu.memory_space<hbm>>
      %dma_wait3A_60 = arith.constant 512 : i32
      %dma_wait3A_61 = tpu.memref_slice %arg15[%dma_wait3A_60] : memref<5120xf32, #tpu.memory_space<vmem>> -> memref<512xf32, #tpu.memory_space<vmem>>
      tpu.wait_dma2 semaphore(%run_scoped3A : memref<!tpu.dma_semaphore, #tpu.memory_space<semaphore_mem>>) src(%dma_wait3A_61 : memref<512xf32, #tpu.memory_space<vmem>>) dst(%dma_wait3A_59 : memref<512xf32, #tpu.memory_space<hbm>>)
      tpu.yield
    }) : () -> ()
    %add3A_18 = arith.constant 32768 : i32
    %add3A_19 = arith.addi %add3A_18, %mul3A_2 : i32
    "tpu.region"() ({
      %run_scoped3A = tpu.sem_alloc : memref<!tpu.dma_semaphore, #tpu.memory_space<semaphore_mem>>
      %dma_start3A = arith.constant 1024 : i32
      %dma_start3A_52 = tpu.memref_slice %arg14[%dma_start3A] : memref<5120xf32, #tpu.memory_space<vmem>> -> memref<512xf32, #tpu.memory_space<vmem>>
      %dma_start3A_53 = tpu.memref_slice %arg6[%add3A_19] : memref<163840xf32, #tpu.memory_space<hbm>> -> memref<512xf32, #tpu.memory_space<hbm>>
      %dma_start3A_54 = tpu.memref_slice %arg6[%add3A_19] : memref<163840xf32, #tpu.memory_space<hbm>> -> memref<512xf32, #tpu.memory_space<hbm>>
      %dma_start3A_55 = arith.constant 1024 : i32
      %dma_start3A_56 = tpu.memref_slice %arg14[%dma_start3A_55] : memref<5120xf32, #tpu.memory_space<vmem>> -> memref<512xf32, #tpu.memory_space<vmem>>
      tpu.enqueue_dma source(%dma_start3A_56 : memref<512xf32, #tpu.memory_space<vmem>>) target(%dma_start3A_54 : memref<512xf32, #tpu.memory_space<hbm>>) target_semaphore(%run_scoped3A : memref<!tpu.dma_semaphore, #tpu.memory_space<semaphore_mem>>)
      %dma_wait3A = arith.constant 1024 : i32
      %dma_wait3A_57 = tpu.memref_slice %arg14[%dma_wait3A] : memref<5120xf32, #tpu.memory_space<vmem>> -> memref<512xf32, #tpu.memory_space<vmem>>
      %dma_wait3A_58 = tpu.memref_slice %arg6[%add3A_19] : memref<163840xf32, #tpu.memory_space<hbm>> -> memref<512xf32, #tpu.memory_space<hbm>>
      %dma_wait3A_59 = tpu.memref_slice %arg6[%add3A_19] : memref<163840xf32, #tpu.memory_space<hbm>> -> memref<512xf32, #tpu.memory_space<hbm>>
      %dma_wait3A_60 = arith.constant 1024 : i32
      %dma_wait3A_61 = tpu.memref_slice %arg14[%dma_wait3A_60] : memref<5120xf32, #tpu.memory_space<vmem>> -> memref<512xf32, #tpu.memory_space<vmem>>
      tpu.wait_dma2 semaphore(%run_scoped3A : memref<!tpu.dma_semaphore, #tpu.memory_space<semaphore_mem>>) src(%dma_wait3A_61 : memref<512xf32, #tpu.memory_space<vmem>>) dst(%dma_wait3A_59 : memref<512xf32, #tpu.memory_space<hbm>>)
      tpu.yield
    }) : () -> ()
    %add3A_20 = arith.constant 32768 : i32
    %add3A_21 = arith.addi %add3A_20, %mul3A_2 : i32
    "tpu.region"() ({
      %run_scoped3A = tpu.sem_alloc : memref<!tpu.dma_semaphore, #tpu.memory_space<semaphore_mem>>
      %dma_start3A = arith.constant 1024 : i32
      %dma_start3A_52 = tpu.memref_slice %arg15[%dma_start3A] : memref<5120xf32, #tpu.memory_space<vmem>> -> memref<512xf32, #tpu.memory_space<vmem>>
      %dma_start3A_53 = tpu.memref_slice %arg7[%add3A_21] : memref<163840xf32, #tpu.memory_space<hbm>> -> memref<512xf32, #tpu.memory_space<hbm>>
      %dma_start3A_54 = tpu.memref_slice %arg7[%add3A_21] : memref<163840xf32, #tpu.memory_space<hbm>> -> memref<512xf32, #tpu.memory_space<hbm>>
      %dma_start3A_55 = arith.constant 1024 : i32
      %dma_start3A_56 = tpu.memref_slice %arg15[%dma_start3A_55] : memref<5120xf32, #tpu.memory_space<vmem>> -> memref<512xf32, #tpu.memory_space<vmem>>
      tpu.enqueue_dma source(%dma_start3A_56 : memref<512xf32, #tpu.memory_space<vmem>>) target(%dma_start3A_54 : memref<512xf32, #tpu.memory_space<hbm>>) target_semaphore(%run_scoped3A : memref<!tpu.dma_semaphore, #tpu.memory_space<semaphore_mem>>)
      %dma_wait3A = arith.constant 1024 : i32
      %dma_wait3A_57 = tpu.memref_slice %arg15[%dma_wait3A] : memref<5120xf32, #tpu.memory_space<vmem>> -> memref<512xf32, #tpu.memory_space<vmem>>
      %dma_wait3A_58 = tpu.memref_slice %arg7[%add3A_21] : memref<163840xf32, #tpu.memory_space<hbm>> -> memref<512xf32, #tpu.memory_space<hbm>>
      %dma_wait3A_59 = tpu.memref_slice %arg7[%add3A_21] : memref<163840xf32, #tpu.memory_space<hbm>> -> memref<512xf32, #tpu.memory_space<hbm>>
      %dma_wait3A_60 = arith.constant 1024 : i32
      %dma_wait3A_61 = tpu.memref_slice %arg15[%dma_wait3A_60] : memref<5120xf32, #tpu.memory_space<vmem>> -> memref<512xf32, #tpu.memory_space<vmem>>
      tpu.wait_dma2 semaphore(%run_scoped3A : memref<!tpu.dma_semaphore, #tpu.memory_space<semaphore_mem>>) src(%dma_wait3A_61 : memref<512xf32, #tpu.memory_space<vmem>>) dst(%dma_wait3A_59 : memref<512xf32, #tpu.memory_space<hbm>>)
      tpu.yield
    }) : () -> ()
    %add3A_22 = arith.constant 49152 : i32
    %add3A_23 = arith.addi %add3A_22, %mul3A_2 : i32
    "tpu.region"() ({
      %run_scoped3A = tpu.sem_alloc : memref<!tpu.dma_semaphore, #tpu.memory_space<semaphore_mem>>
      %dma_start3A = arith.constant 1536 : i32
      %dma_start3A_52 = tpu.memref_slice %arg14[%dma_start3A] : memref<5120xf32, #tpu.memory_space<vmem>> -> memref<512xf32, #tpu.memory_space<vmem>>
      %dma_start3A_53 = tpu.memref_slice %arg6[%add3A_23] : memref<163840xf32, #tpu.memory_space<hbm>> -> memref<512xf32, #tpu.memory_space<hbm>>
      %dma_start3A_54 = tpu.memref_slice %arg6[%add3A_23] : memref<163840xf32, #tpu.memory_space<hbm>> -> memref<512xf32, #tpu.memory_space<hbm>>
      %dma_start3A_55 = arith.constant 1536 : i32
      %dma_start3A_56 = tpu.memref_slice %arg14[%dma_start3A_55] : memref<5120xf32, #tpu.memory_space<vmem>> -> memref<512xf32, #tpu.memory_space<vmem>>
      tpu.enqueue_dma source(%dma_start3A_56 : memref<512xf32, #tpu.memory_space<vmem>>) target(%dma_start3A_54 : memref<512xf32, #tpu.memory_space<hbm>>) target_semaphore(%run_scoped3A : memref<!tpu.dma_semaphore, #tpu.memory_space<semaphore_mem>>)
      %dma_wait3A = arith.constant 1536 : i32
      %dma_wait3A_57 = tpu.memref_slice %arg14[%dma_wait3A] : memref<5120xf32, #tpu.memory_space<vmem>> -> memref<512xf32, #tpu.memory_space<vmem>>
      %dma_wait3A_58 = tpu.memref_slice %arg6[%add3A_23] : memref<163840xf32, #tpu.memory_space<hbm>> -> memref<512xf32, #tpu.memory_space<hbm>>
      %dma_wait3A_59 = tpu.memref_slice %arg6[%add3A_23] : memref<163840xf32, #tpu.memory_space<hbm>> -> memref<512xf32, #tpu.memory_space<hbm>>
      %dma_wait3A_60 = arith.constant 1536 : i32
      %dma_wait3A_61 = tpu.memref_slice %arg14[%dma_wait3A_60] : memref<5120xf32, #tpu.memory_space<vmem>> -> memref<512xf32, #tpu.memory_space<vmem>>
      tpu.wait_dma2 semaphore(%run_scoped3A : memref<!tpu.dma_semaphore, #tpu.memory_space<semaphore_mem>>) src(%dma_wait3A_61 : memref<512xf32, #tpu.memory_space<vmem>>) dst(%dma_wait3A_59 : memref<512xf32, #tpu.memory_space<hbm>>)
      tpu.yield
    }) : () -> ()
    %add3A_24 = arith.constant 49152 : i32
    %add3A_25 = arith.addi %add3A_24, %mul3A_2 : i32
    "tpu.region"() ({
      %run_scoped3A = tpu.sem_alloc : memref<!tpu.dma_semaphore, #tpu.memory_space<semaphore_mem>>
      %dma_start3A = arith.constant 1536 : i32
      %dma_start3A_52 = tpu.memref_slice %arg15[%dma_start3A] : memref<5120xf32, #tpu.memory_space<vmem>> -> memref<512xf32, #tpu.memory_space<vmem>>
      %dma_start3A_53 = tpu.memref_slice %arg7[%add3A_25] : memref<163840xf32, #tpu.memory_space<hbm>> -> memref<512xf32, #tpu.memory_space<hbm>>
      %dma_start3A_54 = tpu.memref_slice %arg7[%add3A_25] : memref<163840xf32, #tpu.memory_space<hbm>> -> memref<512xf32, #tpu.memory_space<hbm>>
      %dma_start3A_55 = arith.constant 1536 : i32
      %dma_start3A_56 = tpu.memref_slice %arg15[%dma_start3A_55] : memref<5120xf32, #tpu.memory_space<vmem>> -> memref<512xf32, #tpu.memory_space<vmem>>
      tpu.enqueue_dma source(%dma_start3A_56 : memref<512xf32, #tpu.memory_space<vmem>>) target(%dma_start3A_54 : memref<512xf32, #tpu.memory_space<hbm>>) target_semaphore(%run_scoped3A : memref<!tpu.dma_semaphore, #tpu.memory_space<semaphore_mem>>)
      %dma_wait3A = arith.constant 1536 : i32
      %dma_wait3A_57 = tpu.memref_slice %arg15[%dma_wait3A] : memref<5120xf32, #tpu.memory_space<vmem>> -> memref<512xf32, #tpu.memory_space<vmem>>
      %dma_wait3A_58 = tpu.memref_slice %arg7[%add3A_25] : memref<163840xf32, #tpu.memory_space<hbm>> -> memref<512xf32, #tpu.memory_space<hbm>>
      %dma_wait3A_59 = tpu.memref_slice %arg7[%add3A_25] : memref<163840xf32, #tpu.memory_space<hbm>> -> memref<512xf32, #tpu.memory_space<hbm>>
      %dma_wait3A_60 = arith.constant 1536 : i32
      %dma_wait3A_61 = tpu.memref_slice %arg15[%dma_wait3A_60] : memref<5120xf32, #tpu.memory_space<vmem>> -> memref<512xf32, #tpu.memory_space<vmem>>
      tpu.wait_dma2 semaphore(%run_scoped3A : memref<!tpu.dma_semaphore, #tpu.memory_space<semaphore_mem>>) src(%dma_wait3A_61 : memref<512xf32, #tpu.memory_space<vmem>>) dst(%dma_wait3A_59 : memref<512xf32, #tpu.memory_space<hbm>>)
      tpu.yield
    }) : () -> ()
    %add3A_26 = arith.constant 65536 : i32
    %add3A_27 = arith.addi %add3A_26, %mul3A_2 : i32
    "tpu.region"() ({
      %run_scoped3A = tpu.sem_alloc : memref<!tpu.dma_semaphore, #tpu.memory_space<semaphore_mem>>
      %dma_start3A = arith.constant 2048 : i32
      %dma_start3A_52 = tpu.memref_slice %arg14[%dma_start3A] : memref<5120xf32, #tpu.memory_space<vmem>> -> memref<512xf32, #tpu.memory_space<vmem>>
      %dma_start3A_53 = tpu.memref_slice %arg6[%add3A_27] : memref<163840xf32, #tpu.memory_space<hbm>> -> memref<512xf32, #tpu.memory_space<hbm>>
      %dma_start3A_54 = tpu.memref_slice %arg6[%add3A_27] : memref<163840xf32, #tpu.memory_space<hbm>> -> memref<512xf32, #tpu.memory_space<hbm>>
      %dma_start3A_55 = arith.constant 2048 : i32
      %dma_start3A_56 = tpu.memref_slice %arg14[%dma_start3A_55] : memref<5120xf32, #tpu.memory_space<vmem>> -> memref<512xf32, #tpu.memory_space<vmem>>
      tpu.enqueue_dma source(%dma_start3A_56 : memref<512xf32, #tpu.memory_space<vmem>>) target(%dma_start3A_54 : memref<512xf32, #tpu.memory_space<hbm>>) target_semaphore(%run_scoped3A : memref<!tpu.dma_semaphore, #tpu.memory_space<semaphore_mem>>)
      %dma_wait3A = arith.constant 2048 : i32
      %dma_wait3A_57 = tpu.memref_slice %arg14[%dma_wait3A] : memref<5120xf32, #tpu.memory_space<vmem>> -> memref<512xf32, #tpu.memory_space<vmem>>
      %dma_wait3A_58 = tpu.memref_slice %arg6[%add3A_27] : memref<163840xf32, #tpu.memory_space<hbm>> -> memref<512xf32, #tpu.memory_space<hbm>>
      %dma_wait3A_59 = tpu.memref_slice %arg6[%add3A_27] : memref<163840xf32, #tpu.memory_space<hbm>> -> memref<512xf32, #tpu.memory_space<hbm>>
      %dma_wait3A_60 = arith.constant 2048 : i32
      %dma_wait3A_61 = tpu.memref_slice %arg14[%dma_wait3A_60] : memref<5120xf32, #tpu.memory_space<vmem>> -> memref<512xf32, #tpu.memory_space<vmem>>
      tpu.wait_dma2 semaphore(%run_scoped3A : memref<!tpu.dma_semaphore, #tpu.memory_space<semaphore_mem>>) src(%dma_wait3A_61 : memref<512xf32, #tpu.memory_space<vmem>>) dst(%dma_wait3A_59 : memref<512xf32, #tpu.memory_space<hbm>>)
      tpu.yield
    }) : () -> ()
    %add3A_28 = arith.constant 65536 : i32
    %add3A_29 = arith.addi %add3A_28, %mul3A_2 : i32
    "tpu.region"() ({
      %run_scoped3A = tpu.sem_alloc : memref<!tpu.dma_semaphore, #tpu.memory_space<semaphore_mem>>
      %dma_start3A = arith.constant 2048 : i32
      %dma_start3A_52 = tpu.memref_slice %arg15[%dma_start3A] : memref<5120xf32, #tpu.memory_space<vmem>> -> memref<512xf32, #tpu.memory_space<vmem>>
      %dma_start3A_53 = tpu.memref_slice %arg7[%add3A_29] : memref<163840xf32, #tpu.memory_space<hbm>> -> memref<512xf32, #tpu.memory_space<hbm>>
      %dma_start3A_54 = tpu.memref_slice %arg7[%add3A_29] : memref<163840xf32, #tpu.memory_space<hbm>> -> memref<512xf32, #tpu.memory_space<hbm>>
      %dma_start3A_55 = arith.constant 2048 : i32
      %dma_start3A_56 = tpu.memref_slice %arg15[%dma_start3A_55] : memref<5120xf32, #tpu.memory_space<vmem>> -> memref<512xf32, #tpu.memory_space<vmem>>
      tpu.enqueue_dma source(%dma_start3A_56 : memref<512xf32, #tpu.memory_space<vmem>>) target(%dma_start3A_54 : memref<512xf32, #tpu.memory_space<hbm>>) target_semaphore(%run_scoped3A : memref<!tpu.dma_semaphore, #tpu.memory_space<semaphore_mem>>)
      %dma_wait3A = arith.constant 2048 : i32
      %dma_wait3A_57 = tpu.memref_slice %arg15[%dma_wait3A] : memref<5120xf32, #tpu.memory_space<vmem>> -> memref<512xf32, #tpu.memory_space<vmem>>
      %dma_wait3A_58 = tpu.memref_slice %arg7[%add3A_29] : memref<163840xf32, #tpu.memory_space<hbm>> -> memref<512xf32, #tpu.memory_space<hbm>>
      %dma_wait3A_59 = tpu.memref_slice %arg7[%add3A_29] : memref<163840xf32, #tpu.memory_space<hbm>> -> memref<512xf32, #tpu.memory_space<hbm>>
      %dma_wait3A_60 = arith.constant 2048 : i32
      %dma_wait3A_61 = tpu.memref_slice %arg15[%dma_wait3A_60] : memref<5120xf32, #tpu.memory_space<vmem>> -> memref<512xf32, #tpu.memory_space<vmem>>
      tpu.wait_dma2 semaphore(%run_scoped3A : memref<!tpu.dma_semaphore, #tpu.memory_space<semaphore_mem>>) src(%dma_wait3A_61 : memref<512xf32, #tpu.memory_space<vmem>>) dst(%dma_wait3A_59 : memref<512xf32, #tpu.memory_space<hbm>>)
      tpu.yield
    }) : () -> ()
    %add3A_30 = arith.constant 81920 : i32
    %add3A_31 = arith.addi %add3A_30, %mul3A_2 : i32
    "tpu.region"() ({
      %run_scoped3A = tpu.sem_alloc : memref<!tpu.dma_semaphore, #tpu.memory_space<semaphore_mem>>
      %dma_start3A = arith.constant 2560 : i32
      %dma_start3A_52 = tpu.memref_slice %arg14[%dma_start3A] : memref<5120xf32, #tpu.memory_space<vmem>> -> memref<512xf32, #tpu.memory_space<vmem>>
      %dma_start3A_53 = tpu.memref_slice %arg6[%add3A_31] : memref<163840xf32, #tpu.memory_space<hbm>> -> memref<512xf32, #tpu.memory_space<hbm>>
      %dma_start3A_54 = tpu.memref_slice %arg6[%add3A_31] : memref<163840xf32, #tpu.memory_space<hbm>> -> memref<512xf32, #tpu.memory_space<hbm>>
      %dma_start3A_55 = arith.constant 2560 : i32
      %dma_start3A_56 = tpu.memref_slice %arg14[%dma_start3A_55] : memref<5120xf32, #tpu.memory_space<vmem>> -> memref<512xf32, #tpu.memory_space<vmem>>
      tpu.enqueue_dma source(%dma_start3A_56 : memref<512xf32, #tpu.memory_space<vmem>>) target(%dma_start3A_54 : memref<512xf32, #tpu.memory_space<hbm>>) target_semaphore(%run_scoped3A : memref<!tpu.dma_semaphore, #tpu.memory_space<semaphore_mem>>)
      %dma_wait3A = arith.constant 2560 : i32
      %dma_wait3A_57 = tpu.memref_slice %arg14[%dma_wait3A] : memref<5120xf32, #tpu.memory_space<vmem>> -> memref<512xf32, #tpu.memory_space<vmem>>
      %dma_wait3A_58 = tpu.memref_slice %arg6[%add3A_31] : memref<163840xf32, #tpu.memory_space<hbm>> -> memref<512xf32, #tpu.memory_space<hbm>>
      %dma_wait3A_59 = tpu.memref_slice %arg6[%add3A_31] : memref<163840xf32, #tpu.memory_space<hbm>> -> memref<512xf32, #tpu.memory_space<hbm>>
      %dma_wait3A_60 = arith.constant 2560 : i32
      %dma_wait3A_61 = tpu.memref_slice %arg14[%dma_wait3A_60] : memref<5120xf32, #tpu.memory_space<vmem>> -> memref<512xf32, #tpu.memory_space<vmem>>
      tpu.wait_dma2 semaphore(%run_scoped3A : memref<!tpu.dma_semaphore, #tpu.memory_space<semaphore_mem>>) src(%dma_wait3A_61 : memref<512xf32, #tpu.memory_space<vmem>>) dst(%dma_wait3A_59 : memref<512xf32, #tpu.memory_space<hbm>>)
      tpu.yield
    }) : () -> ()
    %add3A_32 = arith.constant 81920 : i32
    %add3A_33 = arith.addi %add3A_32, %mul3A_2 : i32
    "tpu.region"() ({
      %run_scoped3A = tpu.sem_alloc : memref<!tpu.dma_semaphore, #tpu.memory_space<semaphore_mem>>
      %dma_start3A = arith.constant 2560 : i32
      %dma_start3A_52 = tpu.memref_slice %arg15[%dma_start3A] : memref<5120xf32, #tpu.memory_space<vmem>> -> memref<512xf32, #tpu.memory_space<vmem>>
      %dma_start3A_53 = tpu.memref_slice %arg7[%add3A_33] : memref<163840xf32, #tpu.memory_space<hbm>> -> memref<512xf32, #tpu.memory_space<hbm>>
      %dma_start3A_54 = tpu.memref_slice %arg7[%add3A_33] : memref<163840xf32, #tpu.memory_space<hbm>> -> memref<512xf32, #tpu.memory_space<hbm>>
      %dma_start3A_55 = arith.constant 2560 : i32
      %dma_start3A_56 = tpu.memref_slice %arg15[%dma_start3A_55] : memref<5120xf32, #tpu.memory_space<vmem>> -> memref<512xf32, #tpu.memory_space<vmem>>
      tpu.enqueue_dma source(%dma_start3A_56 : memref<512xf32, #tpu.memory_space<vmem>>) target(%dma_start3A_54 : memref<512xf32, #tpu.memory_space<hbm>>) target_semaphore(%run_scoped3A : memref<!tpu.dma_semaphore, #tpu.memory_space<semaphore_mem>>)
      %dma_wait3A = arith.constant 2560 : i32
      %dma_wait3A_57 = tpu.memref_slice %arg15[%dma_wait3A] : memref<5120xf32, #tpu.memory_space<vmem>> -> memref<512xf32, #tpu.memory_space<vmem>>
      %dma_wait3A_58 = tpu.memref_slice %arg7[%add3A_33] : memref<163840xf32, #tpu.memory_space<hbm>> -> memref<512xf32, #tpu.memory_space<hbm>>
      %dma_wait3A_59 = tpu.memref_slice %arg7[%add3A_33] : memref<163840xf32, #tpu.memory_space<hbm>> -> memref<512xf32, #tpu.memory_space<hbm>>
      %dma_wait3A_60 = arith.constant 2560 : i32
      %dma_wait3A_61 = tpu.memref_slice %arg15[%dma_wait3A_60] : memref<5120xf32, #tpu.memory_space<vmem>> -> memref<512xf32, #tpu.memory_space<vmem>>
      tpu.wait_dma2 semaphore(%run_scoped3A : memref<!tpu.dma_semaphore, #tpu.memory_space<semaphore_mem>>) src(%dma_wait3A_61 : memref<512xf32, #tpu.memory_space<vmem>>) dst(%dma_wait3A_59 : memref<512xf32, #tpu.memory_space<hbm>>)
      tpu.yield
    }) : () -> ()
    %add3A_34 = arith.constant 98304 : i32
    %add3A_35 = arith.addi %add3A_34, %mul3A_2 : i32
    "tpu.region"() ({
      %run_scoped3A = tpu.sem_alloc : memref<!tpu.dma_semaphore, #tpu.memory_space<semaphore_mem>>
      %dma_start3A = arith.constant 3072 : i32
      %dma_start3A_52 = tpu.memref_slice %arg14[%dma_start3A] : memref<5120xf32, #tpu.memory_space<vmem>> -> memref<512xf32, #tpu.memory_space<vmem>>
      %dma_start3A_53 = tpu.memref_slice %arg6[%add3A_35] : memref<163840xf32, #tpu.memory_space<hbm>> -> memref<512xf32, #tpu.memory_space<hbm>>
      %dma_start3A_54 = tpu.memref_slice %arg6[%add3A_35] : memref<163840xf32, #tpu.memory_space<hbm>> -> memref<512xf32, #tpu.memory_space<hbm>>
      %dma_start3A_55 = arith.constant 3072 : i32
      %dma_start3A_56 = tpu.memref_slice %arg14[%dma_start3A_55] : memref<5120xf32, #tpu.memory_space<vmem>> -> memref<512xf32, #tpu.memory_space<vmem>>
      tpu.enqueue_dma source(%dma_start3A_56 : memref<512xf32, #tpu.memory_space<vmem>>) target(%dma_start3A_54 : memref<512xf32, #tpu.memory_space<hbm>>) target_semaphore(%run_scoped3A : memref<!tpu.dma_semaphore, #tpu.memory_space<semaphore_mem>>)
      %dma_wait3A = arith.constant 3072 : i32
      %dma_wait3A_57 = tpu.memref_slice %arg14[%dma_wait3A] : memref<5120xf32, #tpu.memory_space<vmem>> -> memref<512xf32, #tpu.memory_space<vmem>>
      %dma_wait3A_58 = tpu.memref_slice %arg6[%add3A_35] : memref<163840xf32, #tpu.memory_space<hbm>> -> memref<512xf32, #tpu.memory_space<hbm>>
      %dma_wait3A_59 = tpu.memref_slice %arg6[%add3A_35] : memref<163840xf32, #tpu.memory_space<hbm>> -> memref<512xf32, #tpu.memory_space<hbm>>
      %dma_wait3A_60 = arith.constant 3072 : i32
      %dma_wait3A_61 = tpu.memref_slice %arg14[%dma_wait3A_60] : memref<5120xf32, #tpu.memory_space<vmem>> -> memref<512xf32, #tpu.memory_space<vmem>>
      tpu.wait_dma2 semaphore(%run_scoped3A : memref<!tpu.dma_semaphore, #tpu.memory_space<semaphore_mem>>) src(%dma_wait3A_61 : memref<512xf32, #tpu.memory_space<vmem>>) dst(%dma_wait3A_59 : memref<512xf32, #tpu.memory_space<hbm>>)
      tpu.yield
    }) : () -> ()
    %add3A_36 = arith.constant 98304 : i32
    %add3A_37 = arith.addi %add3A_36, %mul3A_2 : i32
    "tpu.region"() ({
      %run_scoped3A = tpu.sem_alloc : memref<!tpu.dma_semaphore, #tpu.memory_space<semaphore_mem>>
      %dma_start3A = arith.constant 3072 : i32
      %dma_start3A_52 = tpu.memref_slice %arg15[%dma_start3A] : memref<5120xf32, #tpu.memory_space<vmem>> -> memref<512xf32, #tpu.memory_space<vmem>>
      %dma_start3A_53 = tpu.memref_slice %arg7[%add3A_37] : memref<163840xf32, #tpu.memory_space<hbm>> -> memref<512xf32, #tpu.memory_space<hbm>>
      %dma_start3A_54 = tpu.memref_slice %arg7[%add3A_37] : memref<163840xf32, #tpu.memory_space<hbm>> -> memref<512xf32, #tpu.memory_space<hbm>>
      %dma_start3A_55 = arith.constant 3072 : i32
      %dma_start3A_56 = tpu.memref_slice %arg15[%dma_start3A_55] : memref<5120xf32, #tpu.memory_space<vmem>> -> memref<512xf32, #tpu.memory_space<vmem>>
      tpu.enqueue_dma source(%dma_start3A_56 : memref<512xf32, #tpu.memory_space<vmem>>) target(%dma_start3A_54 : memref<512xf32, #tpu.memory_space<hbm>>) target_semaphore(%run_scoped3A : memref<!tpu.dma_semaphore, #tpu.memory_space<semaphore_mem>>)
      %dma_wait3A = arith.constant 3072 : i32
      %dma_wait3A_57 = tpu.memref_slice %arg15[%dma_wait3A] : memref<5120xf32, #tpu.memory_space<vmem>> -> memref<512xf32, #tpu.memory_space<vmem>>
      %dma_wait3A_58 = tpu.memref_slice %arg7[%add3A_37] : memref<163840xf32, #tpu.memory_space<hbm>> -> memref<512xf32, #tpu.memory_space<hbm>>
      %dma_wait3A_59 = tpu.memref_slice %arg7[%add3A_37] : memref<163840xf32, #tpu.memory_space<hbm>> -> memref<512xf32, #tpu.memory_space<hbm>>
      %dma_wait3A_60 = arith.constant 3072 : i32
      %dma_wait3A_61 = tpu.memref_slice %arg15[%dma_wait3A_60] : memref<5120xf32, #tpu.memory_space<vmem>> -> memref<512xf32, #tpu.memory_space<vmem>>
      tpu.wait_dma2 semaphore(%run_scoped3A : memref<!tpu.dma_semaphore, #tpu.memory_space<semaphore_mem>>) src(%dma_wait3A_61 : memref<512xf32, #tpu.memory_space<vmem>>) dst(%dma_wait3A_59 : memref<512xf32, #tpu.memory_space<hbm>>)
      tpu.yield
    }) : () -> ()
    %add3A_38 = arith.constant 114688 : i32
    %add3A_39 = arith.addi %add3A_38, %mul3A_2 : i32
    "tpu.region"() ({
      %run_scoped3A = tpu.sem_alloc : memref<!tpu.dma_semaphore, #tpu.memory_space<semaphore_mem>>
      %dma_start3A = arith.constant 3584 : i32
      %dma_start3A_52 = tpu.memref_slice %arg14[%dma_start3A] : memref<5120xf32, #tpu.memory_space<vmem>> -> memref<512xf32, #tpu.memory_space<vmem>>
      %dma_start3A_53 = tpu.memref_slice %arg6[%add3A_39] : memref<163840xf32, #tpu.memory_space<hbm>> -> memref<512xf32, #tpu.memory_space<hbm>>
      %dma_start3A_54 = tpu.memref_slice %arg6[%add3A_39] : memref<163840xf32, #tpu.memory_space<hbm>> -> memref<512xf32, #tpu.memory_space<hbm>>
      %dma_start3A_55 = arith.constant 3584 : i32
      %dma_start3A_56 = tpu.memref_slice %arg14[%dma_start3A_55] : memref<5120xf32, #tpu.memory_space<vmem>> -> memref<512xf32, #tpu.memory_space<vmem>>
      tpu.enqueue_dma source(%dma_start3A_56 : memref<512xf32, #tpu.memory_space<vmem>>) target(%dma_start3A_54 : memref<512xf32, #tpu.memory_space<hbm>>) target_semaphore(%run_scoped3A : memref<!tpu.dma_semaphore, #tpu.memory_space<semaphore_mem>>)
      %dma_wait3A = arith.constant 3584 : i32
      %dma_wait3A_57 = tpu.memref_slice %arg14[%dma_wait3A] : memref<5120xf32, #tpu.memory_space<vmem>> -> memref<512xf32, #tpu.memory_space<vmem>>
      %dma_wait3A_58 = tpu.memref_slice %arg6[%add3A_39] : memref<163840xf32, #tpu.memory_space<hbm>> -> memref<512xf32, #tpu.memory_space<hbm>>
      %dma_wait3A_59 = tpu.memref_slice %arg6[%add3A_39] : memref<163840xf32, #tpu.memory_space<hbm>> -> memref<512xf32, #tpu.memory_space<hbm>>
      %dma_wait3A_60 = arith.constant 3584 : i32
      %dma_wait3A_61 = tpu.memref_slice %arg14[%dma_wait3A_60] : memref<5120xf32, #tpu.memory_space<vmem>> -> memref<512xf32, #tpu.memory_space<vmem>>
      tpu.wait_dma2 semaphore(%run_scoped3A : memref<!tpu.dma_semaphore, #tpu.memory_space<semaphore_mem>>) src(%dma_wait3A_61 : memref<512xf32, #tpu.memory_space<vmem>>) dst(%dma_wait3A_59 : memref<512xf32, #tpu.memory_space<hbm>>)
      tpu.yield
    }) : () -> ()
    %add3A_40 = arith.constant 114688 : i32
    %add3A_41 = arith.addi %add3A_40, %mul3A_2 : i32
    "tpu.region"() ({
      %run_scoped3A = tpu.sem_alloc : memref<!tpu.dma_semaphore, #tpu.memory_space<semaphore_mem>>
      %dma_start3A = arith.constant 3584 : i32
      %dma_start3A_52 = tpu.memref_slice %arg15[%dma_start3A] : memref<5120xf32, #tpu.memory_space<vmem>> -> memref<512xf32, #tpu.memory_space<vmem>>
      %dma_start3A_53 = tpu.memref_slice %arg7[%add3A_41] : memref<163840xf32, #tpu.memory_space<hbm>> -> memref<512xf32, #tpu.memory_space<hbm>>
      %dma_start3A_54 = tpu.memref_slice %arg7[%add3A_41] : memref<163840xf32, #tpu.memory_space<hbm>> -> memref<512xf32, #tpu.memory_space<hbm>>
      %dma_start3A_55 = arith.constant 3584 : i32
      %dma_start3A_56 = tpu.memref_slice %arg15[%dma_start3A_55] : memref<5120xf32, #tpu.memory_space<vmem>> -> memref<512xf32, #tpu.memory_space<vmem>>
      tpu.enqueue_dma source(%dma_start3A_56 : memref<512xf32, #tpu.memory_space<vmem>>) target(%dma_start3A_54 : memref<512xf32, #tpu.memory_space<hbm>>) target_semaphore(%run_scoped3A : memref<!tpu.dma_semaphore, #tpu.memory_space<semaphore_mem>>)
      %dma_wait3A = arith.constant 3584 : i32
      %dma_wait3A_57 = tpu.memref_slice %arg15[%dma_wait3A] : memref<5120xf32, #tpu.memory_space<vmem>> -> memref<512xf32, #tpu.memory_space<vmem>>
      %dma_wait3A_58 = tpu.memref_slice %arg7[%add3A_41] : memref<163840xf32, #tpu.memory_space<hbm>> -> memref<512xf32, #tpu.memory_space<hbm>>
      %dma_wait3A_59 = tpu.memref_slice %arg7[%add3A_41] : memref<163840xf32, #tpu.memory_space<hbm>> -> memref<512xf32, #tpu.memory_space<hbm>>
      %dma_wait3A_60 = arith.constant 3584 : i32
      %dma_wait3A_61 = tpu.memref_slice %arg15[%dma_wait3A_60] : memref<5120xf32, #tpu.memory_space<vmem>> -> memref<512xf32, #tpu.memory_space<vmem>>
      tpu.wait_dma2 semaphore(%run_scoped3A : memref<!tpu.dma_semaphore, #tpu.memory_space<semaphore_mem>>) src(%dma_wait3A_61 : memref<512xf32, #tpu.memory_space<vmem>>) dst(%dma_wait3A_59 : memref<512xf32, #tpu.memory_space<hbm>>)
      tpu.yield
    }) : () -> ()
    %add3A_42 = arith.constant 131072 : i32
    %add3A_43 = arith.addi %add3A_42, %mul3A_2 : i32
    "tpu.region"() ({
      %run_scoped3A = tpu.sem_alloc : memref<!tpu.dma_semaphore, #tpu.memory_space<semaphore_mem>>
      %dma_start3A = arith.constant 4096 : i32
      %dma_start3A_52 = tpu.memref_slice %arg14[%dma_start3A] : memref<5120xf32, #tpu.memory_space<vmem>> -> memref<512xf32, #tpu.memory_space<vmem>>
      %dma_start3A_53 = tpu.memref_slice %arg6[%add3A_43] : memref<163840xf32, #tpu.memory_space<hbm>> -> memref<512xf32, #tpu.memory_space<hbm>>
      %dma_start3A_54 = tpu.memref_slice %arg6[%add3A_43] : memref<163840xf32, #tpu.memory_space<hbm>> -> memref<512xf32, #tpu.memory_space<hbm>>
      %dma_start3A_55 = arith.constant 4096 : i32
      %dma_start3A_56 = tpu.memref_slice %arg14[%dma_start3A_55] : memref<5120xf32, #tpu.memory_space<vmem>> -> memref<512xf32, #tpu.memory_space<vmem>>
      tpu.enqueue_dma source(%dma_start3A_56 : memref<512xf32, #tpu.memory_space<vmem>>) target(%dma_start3A_54 : memref<512xf32, #tpu.memory_space<hbm>>) target_semaphore(%run_scoped3A : memref<!tpu.dma_semaphore, #tpu.memory_space<semaphore_mem>>)
      %dma_wait3A = arith.constant 4096 : i32
      %dma_wait3A_57 = tpu.memref_slice %arg14[%dma_wait3A] : memref<5120xf32, #tpu.memory_space<vmem>> -> memref<512xf32, #tpu.memory_space<vmem>>
      %dma_wait3A_58 = tpu.memref_slice %arg6[%add3A_43] : memref<163840xf32, #tpu.memory_space<hbm>> -> memref<512xf32, #tpu.memory_space<hbm>>
      %dma_wait3A_59 = tpu.memref_slice %arg6[%add3A_43] : memref<163840xf32, #tpu.memory_space<hbm>> -> memref<512xf32, #tpu.memory_space<hbm>>
      %dma_wait3A_60 = arith.constant 4096 : i32
      %dma_wait3A_61 = tpu.memref_slice %arg14[%dma_wait3A_60] : memref<5120xf32, #tpu.memory_space<vmem>> -> memref<512xf32, #tpu.memory_space<vmem>>
      tpu.wait_dma2 semaphore(%run_scoped3A : memref<!tpu.dma_semaphore, #tpu.memory_space<semaphore_mem>>) src(%dma_wait3A_61 : memref<512xf32, #tpu.memory_space<vmem>>) dst(%dma_wait3A_59 : memref<512xf32, #tpu.memory_space<hbm>>)
      tpu.yield
    }) : () -> ()
    %add3A_44 = arith.constant 131072 : i32
    %add3A_45 = arith.addi %add3A_44, %mul3A_2 : i32
    "tpu.region"() ({
      %run_scoped3A = tpu.sem_alloc : memref<!tpu.dma_semaphore, #tpu.memory_space<semaphore_mem>>
      %dma_start3A = arith.constant 4096 : i32
      %dma_start3A_52 = tpu.memref_slice %arg15[%dma_start3A] : memref<5120xf32, #tpu.memory_space<vmem>> -> memref<512xf32, #tpu.memory_space<vmem>>
      %dma_start3A_53 = tpu.memref_slice %arg7[%add3A_45] : memref<163840xf32, #tpu.memory_space<hbm>> -> memref<512xf32, #tpu.memory_space<hbm>>
      %dma_start3A_54 = tpu.memref_slice %arg7[%add3A_45] : memref<163840xf32, #tpu.memory_space<hbm>> -> memref<512xf32, #tpu.memory_space<hbm>>
      %dma_start3A_55 = arith.constant 4096 : i32
      %dma_start3A_56 = tpu.memref_slice %arg15[%dma_start3A_55] : memref<5120xf32, #tpu.memory_space<vmem>> -> memref<512xf32, #tpu.memory_space<vmem>>
      tpu.enqueue_dma source(%dma_start3A_56 : memref<512xf32, #tpu.memory_space<vmem>>) target(%dma_start3A_54 : memref<512xf32, #tpu.memory_space<hbm>>) target_semaphore(%run_scoped3A : memref<!tpu.dma_semaphore, #tpu.memory_space<semaphore_mem>>)
      %dma_wait3A = arith.constant 4096 : i32
      %dma_wait3A_57 = tpu.memref_slice %arg15[%dma_wait3A] : memref<5120xf32, #tpu.memory_space<vmem>> -> memref<512xf32, #tpu.memory_space<vmem>>
      %dma_wait3A_58 = tpu.memref_slice %arg7[%add3A_45] : memref<163840xf32, #tpu.memory_space<hbm>> -> memref<512xf32, #tpu.memory_space<hbm>>
      %dma_wait3A_59 = tpu.memref_slice %arg7[%add3A_45] : memref<163840xf32, #tpu.memory_space<hbm>> -> memref<512xf32, #tpu.memory_space<hbm>>
      %dma_wait3A_60 = arith.constant 4096 : i32
      %dma_wait3A_61 = tpu.memref_slice %arg15[%dma_wait3A_60] : memref<5120xf32, #tpu.memory_space<vmem>> -> memref<512xf32, #tpu.memory_space<vmem>>
      tpu.wait_dma2 semaphore(%run_scoped3A : memref<!tpu.dma_semaphore, #tpu.memory_space<semaphore_mem>>) src(%dma_wait3A_61 : memref<512xf32, #tpu.memory_space<vmem>>) dst(%dma_wait3A_59 : memref<512xf32, #tpu.memory_space<hbm>>)
      tpu.yield
    }) : () -> ()
    %add3A_46 = arith.constant 147456 : i32
    %add3A_47 = arith.addi %add3A_46, %mul3A_2 : i32
    "tpu.region"() ({
      %run_scoped3A = tpu.sem_alloc : memref<!tpu.dma_semaphore, #tpu.memory_space<semaphore_mem>>
      %dma_start3A = arith.constant 4608 : i32
      %dma_start3A_52 = tpu.memref_slice %arg14[%dma_start3A] : memref<5120xf32, #tpu.memory_space<vmem>> -> memref<512xf32, #tpu.memory_space<vmem>>
      %dma_start3A_53 = tpu.memref_slice %arg6[%add3A_47] : memref<163840xf32, #tpu.memory_space<hbm>> -> memref<512xf32, #tpu.memory_space<hbm>>
      %dma_start3A_54 = tpu.memref_slice %arg6[%add3A_47] : memref<163840xf32, #tpu.memory_space<hbm>> -> memref<512xf32, #tpu.memory_space<hbm>>
      %dma_start3A_55 = arith.constant 4608 : i32
      %dma_start3A_56 = tpu.memref_slice %arg14[%dma_start3A_55] : memref<5120xf32, #tpu.memory_space<vmem>> -> memref<512xf32, #tpu.memory_space<vmem>>
      tpu.enqueue_dma source(%dma_start3A_56 : memref<512xf32, #tpu.memory_space<vmem>>) target(%dma_start3A_54 : memref<512xf32, #tpu.memory_space<hbm>>) target_semaphore(%run_scoped3A : memref<!tpu.dma_semaphore, #tpu.memory_space<semaphore_mem>>)
      %dma_wait3A = arith.constant 4608 : i32
      %dma_wait3A_57 = tpu.memref_slice %arg14[%dma_wait3A] : memref<5120xf32, #tpu.memory_space<vmem>> -> memref<512xf32, #tpu.memory_space<vmem>>
      %dma_wait3A_58 = tpu.memref_slice %arg6[%add3A_47] : memref<163840xf32, #tpu.memory_space<hbm>> -> memref<512xf32, #tpu.memory_space<hbm>>
      %dma_wait3A_59 = tpu.memref_slice %arg6[%add3A_47] : memref<163840xf32, #tpu.memory_space<hbm>> -> memref<512xf32, #tpu.memory_space<hbm>>
      %dma_wait3A_60 = arith.constant 4608 : i32
      %dma_wait3A_61 = tpu.memref_slice %arg14[%dma_wait3A_60] : memref<5120xf32, #tpu.memory_space<vmem>> -> memref<512xf32, #tpu.memory_space<vmem>>
      tpu.wait_dma2 semaphore(%run_scoped3A : memref<!tpu.dma_semaphore, #tpu.memory_space<semaphore_mem>>) src(%dma_wait3A_61 : memref<512xf32, #tpu.memory_space<vmem>>) dst(%dma_wait3A_59 : memref<512xf32, #tpu.memory_space<hbm>>)
      tpu.yield
    }) : () -> ()
    %add3A_48 = arith.constant 147456 : i32
    %add3A_49 = arith.addi %add3A_48, %mul3A_2 : i32
    "tpu.region"() ({
      %run_scoped3A = tpu.sem_alloc : memref<!tpu.dma_semaphore, #tpu.memory_space<semaphore_mem>>
      %dma_start3A = arith.constant 4608 : i32
      %dma_start3A_52 = tpu.memref_slice %arg15[%dma_start3A] : memref<5120xf32, #tpu.memory_space<vmem>> -> memref<512xf32, #tpu.memory_space<vmem>>
      %dma_start3A_53 = tpu.memref_slice %arg7[%add3A_49] : memref<163840xf32, #tpu.memory_space<hbm>> -> memref<512xf32, #tpu.memory_space<hbm>>
      %dma_start3A_54 = tpu.memref_slice %arg7[%add3A_49] : memref<163840xf32, #tpu.memory_space<hbm>> -> memref<512xf32, #tpu.memory_space<hbm>>
      %dma_start3A_55 = arith.constant 4608 : i32
      %dma_start3A_56 = tpu.memref_slice %arg15[%dma_start3A_55] : memref<5120xf32, #tpu.memory_space<vmem>> -> memref<512xf32, #tpu.memory_space<vmem>>
      tpu.enqueue_dma source(%dma_start3A_56 : memref<512xf32, #tpu.memory_space<vmem>>) target(%dma_start3A_54 : memref<512xf32, #tpu.memory_space<hbm>>) target_semaphore(%run_scoped3A : memref<!tpu.dma_semaphore, #tpu.memory_space<semaphore_mem>>)
      %dma_wait3A = arith.constant 4608 : i32
      %dma_wait3A_57 = tpu.memref_slice %arg15[%dma_wait3A] : memref<5120xf32, #tpu.memory_space<vmem>> -> memref<512xf32, #tpu.memory_space<vmem>>
      %dma_wait3A_58 = tpu.memref_slice %arg7[%add3A_49] : memref<163840xf32, #tpu.memory_space<hbm>> -> memref<512xf32, #tpu.memory_space<hbm>>
      %dma_wait3A_59 = tpu.memref_slice %arg7[%add3A_49] : memref<163840xf32, #tpu.memory_space<hbm>> -> memref<512xf32, #tpu.memory_space<hbm>>
      %dma_wait3A_60 = arith.constant 4608 : i32
      %dma_wait3A_61 = tpu.memref_slice %arg15[%dma_wait3A_60] : memref<5120xf32, #tpu.memory_space<vmem>> -> memref<512xf32, #tpu.memory_space<vmem>>
      tpu.wait_dma2 semaphore(%run_scoped3A : memref<!tpu.dma_semaphore, #tpu.memory_space<semaphore_mem>>) src(%dma_wait3A_61 : memref<512xf32, #tpu.memory_space<vmem>>) dst(%dma_wait3A_59 : memref<512xf32, #tpu.memory_space<hbm>>)
      tpu.yield
    }) : () -> ()
    "tpu.region"() ({
      %run_scoped3A = tpu.sem_alloc : memref<!tpu.dma_semaphore, #tpu.memory_space<semaphore_mem>>
      %dma_start3A = tpu.memref_slice %arg8[%mul3A_2] : memref<16384xf32, #tpu.memory_space<hbm>> -> memref<512xf32, #tpu.memory_space<hbm>>
      %dma_start3A_52 = tpu.memref_slice %arg8[%mul3A_2] : memref<16384xf32, #tpu.memory_space<hbm>> -> memref<512xf32, #tpu.memory_space<hbm>>
      tpu.enqueue_dma source(%arg16 : memref<512xf32, #tpu.memory_space<vmem>>) target(%dma_start3A_52 : memref<512xf32, #tpu.memory_space<hbm>>) target_semaphore(%run_scoped3A : memref<!tpu.dma_semaphore, #tpu.memory_space<semaphore_mem>>)
      %dma_wait3A = tpu.memref_slice %arg8[%mul3A_2] : memref<16384xf32, #tpu.memory_space<hbm>> -> memref<512xf32, #tpu.memory_space<hbm>>
      %dma_wait3A_53 = tpu.memref_slice %arg8[%mul3A_2] : memref<16384xf32, #tpu.memory_space<hbm>> -> memref<512xf32, #tpu.memory_space<hbm>>
      tpu.wait_dma2 semaphore(%run_scoped3A : memref<!tpu.dma_semaphore, #tpu.memory_space<semaphore_mem>>) src(%arg16 : memref<512xf32, #tpu.memory_space<vmem>>) dst(%dma_wait3A_53 : memref<512xf32, #tpu.memory_space<hbm>>)
      tpu.yield
    }) : () -> ()
    %mul3A_50 = arith.constant 16 : i32
    %mul3A_51 = arith.muli %add3A, %mul3A_50 : i32
    "tpu.region"() ({
      %run_scoped3A = tpu.sem_alloc : memref<!tpu.dma_semaphore, #tpu.memory_space<semaphore_mem>>
      %dma_start3A = tpu.memref_slice %arg9[%mul3A_51] : memref<512xf32, #tpu.memory_space<hbm>> -> memref<16xf32, #tpu.memory_space<hbm>>
      %dma_start3A_52 = tpu.memref_slice %arg9[%mul3A_51] : memref<512xf32, #tpu.memory_space<hbm>> -> memref<16xf32, #tpu.memory_space<hbm>>
      tpu.enqueue_dma source(%arg17 : memref<16xf32, #tpu.memory_space<vmem>>) target(%dma_start3A_52 : memref<16xf32, #tpu.memory_space<hbm>>) target_semaphore(%run_scoped3A : memref<!tpu.dma_semaphore, #tpu.memory_space<semaphore_mem>>)
      %dma_wait3A = tpu.memref_slice %arg9[%mul3A_51] : memref<512xf32, #tpu.memory_space<hbm>> -> memref<16xf32, #tpu.memory_space<hbm>>
      %dma_wait3A_53 = tpu.memref_slice %arg9[%mul3A_51] : memref<512xf32, #tpu.memory_space<hbm>> -> memref<16xf32, #tpu.memory_space<hbm>>
      tpu.wait_dma2 semaphore(%run_scoped3A : memref<!tpu.dma_semaphore, #tpu.memory_space<semaphore_mem>>) src(%arg17 : memref<16xf32, #tpu.memory_space<vmem>>) dst(%dma_wait3A_53 : memref<16xf32, #tpu.memory_space<hbm>>)
      tpu.yield
    }) : () -> ()
    return
  }
}

module attributes {stable_mosaic.version = 14 : i64} {
  func.func @_tables_body(%arg0: memref<1000x128xf32, #tpu.memory_space<vmem>>, %arg1: memref<10x128xf32, #tpu.memory_space<vmem>>, %arg2: memref<10xf32, #tpu.memory_space<vmem>>, %arg3: memref<1x10xf32, #tpu.memory_space<vmem>>, %arg4: memref<1xf32, #tpu.memory_space<vmem>>, %arg5: memref<80x128xf32, #tpu.memory_space<vmem>>, %arg6: memref<80x128xf32, #tpu.memory_space<vmem>>) attributes {dimension_semantics = [], scalar_prefetch = 0 : i64, scratch_operands = 0 : i64, tpu.core_type = #tpu.core_type<tc>} {
    %get3A = arith.constant 0 : index
    %get3A_0 = arith.constant 0 : index
    %get3A_1 = vector.load %arg1[%get3A, %get3A_0] : memref<10x128xf32, #tpu.memory_space<vmem>>, vector<10x128xf32>
    %get3A_2 = arith.constant 0 : index
    %get3A_3 = arith.constant 0 : index
    %get3A_4 = vector.load %arg0[%get3A_2, %get3A_3] : memref<1000x128xf32, #tpu.memory_space<vmem>>, vector<1000x128xf32>
    %dot_general3A = arith.constant dense<0.000000e+00> : vector<10x1000xf32>
    %dot_general3A_5 = tpu.matmul %get3A_1, %get3A_4, %dot_general3A {dimension_numbers = #tpu.dot_dimension_numbers<[1], [1], [0], [0], [0, 0, 1, 0], [], []>, transpose_lhs_hint = false} : vector<10x128xf32>, vector<1000x128xf32>, vector<10x1000xf32> -> vector<10x1000xf32>
    %get3A_6 = arith.constant 0 : index
    %get3A_7 = vector.load %arg2[%get3A_6] : memref<10xf32, #tpu.memory_space<vmem>>, vector<10xf32>
    %broadcast_in_dim3A = vector.shape_cast %get3A_7 : vector<10xf32> to vector<10x1xf32>
    %add3A = vector.broadcast %broadcast_in_dim3A : vector<10x1xf32> to vector<10x1000xf32>
    %add3A_8 = arith.addf %dot_general3A_5, %add3A : vector<10x1000xf32>
    %tanh3A = math.tanh %add3A_8 : vector<10x1000xf32>
    %get3A_9 = arith.constant 0 : index
    %get3A_10 = arith.constant 0 : index
    %get3A_11 = vector.load %arg3[%get3A_9, %get3A_10] : memref<1x10xf32, #tpu.memory_space<vmem>>, vector<1x10xf32>
    %dot_general3A_12 = arith.constant dense<0.000000e+00> : vector<1x1000xf32>
    %dot_general3A_13 = tpu.matmul %get3A_11, %tanh3A, %dot_general3A_12 {dimension_numbers = #tpu.dot_dimension_numbers<[1], [0], [0], [1], [0, 0, 1, 1], [], []>, transpose_lhs_hint = false} : vector<1x10xf32>, vector<10x1000xf32>, vector<1x1000xf32> -> vector<1x1000xf32>
    %get3A_14 = arith.constant 0 : index
    %get3A_15 = vector.load %arg4[%get3A_14] : memref<1xf32, #tpu.memory_space<vmem>>, vector<1xf32>
    %broadcast_in_dim3A_16 = vector.shape_cast %get3A_15 : vector<1xf32> to vector<1x1xf32>
    %add3A_17 = vector.broadcast %broadcast_in_dim3A_16 : vector<1x1xf32> to vector<1x1000xf32>
    %add3A_18 = arith.addf %dot_general3A_13, %add3A_17 : vector<1x1000xf32>
    %broadcast_in_dim3A_19 = arith.constant 0.000000e+00 : f32
    %broadcast_in_dim3A_20 = vector.broadcast %broadcast_in_dim3A_19 : f32 to vector<10x24xf32>
    %concatenate3A = tpu.concatenate %add3A_8, %broadcast_in_dim3A_20 in 1 : vector<10x1000xf32>, vector<10x24xf32> -> vector<10x1024xf32>
    %reshape3A = vector.shape_cast %concatenate3A : vector<10x1024xf32> to vector<80x128xf32>
    %swap3A = arith.constant 0 : index
    %swap3A_21 = arith.constant 0 : index
    %swap3A_22 = vector.load %arg5[%swap3A, %swap3A_21] : memref<80x128xf32, #tpu.memory_space<vmem>>, vector<80x128xf32>
    tpu.vector_store %arg5[%swap3A, %swap3A_21], %reshape3A {strides = array<i32>} : memref<80x128xf32, #tpu.memory_space<vmem>>, vector<80x128xf32>,
    %add3A_23 = vector.broadcast %add3A_18 : vector<1x1000xf32> to vector<10x1000xf32>
    %add3A_24 = arith.addf %tanh3A, %add3A_23 : vector<10x1000xf32>
    %concatenate3A_25 = tpu.concatenate %add3A_24, %broadcast_in_dim3A_20 in 1 : vector<10x1000xf32>, vector<10x24xf32> -> vector<10x1024xf32>
    %reshape3A_26 = vector.shape_cast %concatenate3A_25 : vector<10x1024xf32> to vector<80x128xf32>
    %swap3A_27 = arith.constant 0 : index
    %swap3A_28 = arith.constant 0 : index
    %swap3A_29 = vector.load %arg6[%swap3A_27, %swap3A_28] : memref<80x128xf32, #tpu.memory_space<vmem>>, vector<80x128xf32>
    tpu.vector_store %arg6[%swap3A_27, %swap3A_28], %reshape3A_26 {strides = array<i32>} : memref<80x128xf32, #tpu.memory_space<vmem>>, vector<80x128xf32>,
    return
  }
}

module attributes {stable_mosaic.version = 14 : i64} {
  func.func @_finish_body(%arg0: memref<2xf32, #tpu.memory_space<smem>>, %arg1: memref<16384xf32, #tpu.memory_space<vmem>>, %arg2: memref<512xf32, #tpu.memory_space<vmem>>, %arg3: memref<16384xf32, #tpu.memory_space<vmem>>) attributes {dimension_semantics = [], scalar_prefetch = 0 : i64, scratch_operands = 0 : i64, tpu.core_type = #tpu.core_type<tc>} {
    %get3A = arith.constant 0 : index
    %get3A_0 = vector.load %arg2[%get3A] : memref<512xf32, #tpu.memory_space<vmem>>, vector<512xf32>
    %reduce_sum3A = vector.shape_cast %get3A_0 : vector<512xf32> to vector<1x512xf32>
    %reduce_sum3A_1 = arith.constant dense<0.000000e+00> : vector<1xf32>
    %reduce_sum3A_2 = vector.multi_reduction <add>, %reduce_sum3A, %reduce_sum3A_1 [1] : vector<1x512xf32> to vector<1xf32>
    %reduce_sum3A_3 = vector.shape_cast %reduce_sum3A_2 : vector<1xf32> to vector<1x1xf32>
    %reduce_sum3A_4 = vector.extract %reduce_sum3A_3[0, 0] : f32 from vector<1x1xf32>
    %max3A = arith.constant 0.000000e+00 : f32
    %max3A_5 = arith.maximumf %reduce_sum3A_4, %max3A : f32
    %sqrt3A = math.sqrt %max3A_5 : f32
    %get3A_6 = arith.constant 0 : index
    %get3A_7 = memref.load %arg0[%get3A_6] : memref<2xf32, #tpu.memory_space<smem>>
    %get3A_8 = arith.constant 0 : index
    %get3A_9 = vector.load %arg1[%get3A_8] : memref<16384xf32, #tpu.memory_space<vmem>>, vector<16384xf32>
    %mul3A = vector.broadcast %get3A_7 : f32 to vector<16384xf32>
    %mul3A_10 = arith.mulf %mul3A, %get3A_9 : vector<16384xf32>
    %get3A_11 = arith.constant 1 : index
    %get3A_12 = memref.load %arg0[%get3A_11] : memref<2xf32, #tpu.memory_space<smem>>
    %mul3A_13 = arith.mulf %get3A_12, %sqrt3A : f32
    %add3A = vector.broadcast %mul3A_13 : f32 to vector<16384xf32>
    %add3A_14 = arith.addf %mul3A_10, %add3A : vector<16384xf32>
    %swap3A = arith.constant 0 : index
    %swap3A_15 = vector.load %arg3[%swap3A] : memref<16384xf32, #tpu.memory_space<vmem>>, vector<16384xf32>
    tpu.vector_store %arg3[%swap3A], %add3A_14 {strides = array<i32>} : memref<16384xf32, #tpu.memory_space<vmem>>, vector<16384xf32>,
    return
  }
}

</mosaic_0001>

<sc_bundles>
// kernel: kernel.5.cloned.1.call-start
scs
__scs_entry_jumppad:
0x0: {  	(pc) =	sbr.rel $0x88, $3  }
0x1: {  	(tag) =	ssettag $0x0;
	lr =	simm.s32 $0x1  }
0x2: {  	[smem:$0x3F99] =	sst lr;
	_ =	strace $0xD0000000  }
0x3: {  	_ = 	snop  }
0x4: {  	_ = 	snop  }
0x5: {  	_ = 	snop  }
0x6: {  	_ = 	snop  }
0x7: {  	_ = 	snop  }
__scs_overlays_trampoline_lowered:
0x8: {  	[smem:$0x3FA8] =	sst s0  }
0x9: {  	[smem:$0x3FA9] =	sst s1  }
0xa: {  	[smem:$0x3FAA] =	sst s2  }
0xb: {  	[smem:$0x3FAB] =	sst s3  }
0xc: {  	[smem:$0x3FAC] =	sst s4  }
0xd: {  	[smem:$0x3FAD] =	sst s5  }
0xe: {  	[smem:$0x3FAE] =	sst s6  }
0xf: {  	[smem:$0x3FAF] =	sst s7  }
0x10: {  	[smem:$0x3FB0] =	sst s8  }
0x11: {  	[smem:$0x3FB1] =	sst s9;
	s0 =	simm.s32 @!p0 $0x0  }
0x12: {  	s1 =	sld [smem:$0x3F97];
	s0 =	simm.s32 @p0 $0x1  }
0x13: {  	[smem:$0x3FB2] =	sst s0;
	s0 =	simm.s32 @!p1 $0x0  }
0x14: {  	s2 =	sld [smem:$0x3F96];
	s0 =	simm.s32 @p1 $0x1  }
0x15: {  	[smem:$0x3FB3] =	sst s0;
	s0 =	simm.s32 @!p2 $0x0  }
0x16: {  	s3 =	sld [smem:$0x3FDB];
	s0 =	simm.s32 @p2 $0x1  }
0x17: {  	s4 =	simm.s32 $0x1BF5;
	[smem:$0x3FB5] =	sst s0  }
0x18: {  	s0 =	sld [smem:$0x3F98];
	_ =	swait.ge [sflag:s4], $0x0  }
0x19: {  	s7 =	sld [smem:$0x3F99]  }
0x1a: {  	s8 =	sadd.s32 $0xFFFFE003, lr  }
0x1b: {  	s9 =	sadd.s32 $0xFFFFFEF7, lr;
	s5 =	simm.s32 $0xFFFFFFFF;
	p2 =	slt.u32 s8, $0xFFFFF086  }
0x1c: {  	p1 =	slt.u32 s9, $0xF7A;
	s5 =	simm.s32 @!p2 $0x0  }
0x1d: {  	s5 =	simm.s32 @p1 $0x1;
	p0 =	seq.s32 s7, s2  }
0x1e: {  	s7 =	smul.u32 @!p0 $0xF7A, s2;
	p2 =	seq.s32 @!p0 s5, $0x0  }
0x1f: {  	s9 =	smul.u32 $0xF7A, s1;
	s8 =	simm.s32 @!p0 $0x1BF5;
	p2 =	por !p2, p0  }
0x20: {  	[sflag:s8] =	ssyncset.s32 @!p0 $0xFFFFF086;
	s6 =	sadd.s32 @!p0 s3, s7;
	s7 =	simm.s32 @!p0 $0x108  }
0x21: {  	s3 =	sadd.s32 s3, s9;
	s6 =	sadd.s32 @!p0 $0x88, s6;
	s7 =	simm.s32 @p2 $0x1082  }
0x22: {  	[simem:s7], [sflag:s8] =	dma.local @!p0 [hbm:s6], $0xF7A  }
0x23: {  	s9 =	sor.u32 $0xD0000000, s2;
	s6 =	simm.s32 $0x108;
	_ =	swait.ge @!p0 [sflag:s8], $0x0  }
0x24: {  	s3 =	sadd.s32 $0x88, s3;
	s6 =	simm.s32 @!p1 $0x1082;
	[sflag:s4] =	ssyncset.s32 $0xFFFFF086  }
0x25: {  	[simem:s6], [sflag:s4] =	dma.local [hbm:s3], $0xF7A  }
0x26: {  	[smem:$0x3F99] =	sst s1;
	(tag) =	ssettag s2;
	_ =	strace s9  }
0x27: {  	s1 =	sld [smem:$0x3FA9]  }
0x28: {  	s2 =	sld [smem:$0x3FAA]  }
0x29: {  	s4 =	sld [smem:$0x3FAC]  }
0x2a: {  	p0 =	seq.s32 s5, $0x0;
	s5 =	sld [smem:$0x3FAD]  }
0x2b: {  	s6 =	sld [smem:$0x3FAE]  }
0x2c: {  	s7 =	sld [smem:$0x3FAF]  }
0x2d: {  	s3 =	simm.s32 $0x108;
	s8 =	sld [smem:$0x3FB0]  }
0x2e: {  	s3 =	simm.s32 @!p0 $0x1082;
	s9 =	sld [smem:$0x3FB1]  }
0x2f: {  	lr =	sadd.s32 s0, s3;
	s0 =	sld [smem:$0x3FA8]  }
0x30: {  	s3 =	sld [smem:$0x3FAB]  }
0x31: {  	[smem:$0x3FB4] =	sst s10  }
0x32: {  	s10 =	sld [smem:$0x3FB2];
	_ =	sdelay $0x3  }
0x33: {  	p0 =	seq.s32 s10, $0x1;
	s10 =	sld [smem:$0x3FB4];
	_ =	sdelay $0x3  }
0x34: {  	[smem:$0x3FB4] =	sst s10  }
0x35: {  	s10 =	sld [smem:$0x3FB3];
	_ =	sdelay $0x3  }
0x36: {  	p1 =	seq.s32 s10, $0x1;
	s10 =	sld [smem:$0x3FB4];
	_ =	sdelay $0x3  }
0x37: {  	[smem:$0x3FB4] =	sst s10  }
0x38: {  	s10 =	sld [smem:$0x3FB5]  }
0x39: {  	_ = 	snop;
	(pc) =	sbr.ind lr, $3  }
0x3a: {  	_ = 	snop  }
0x3b: {  	_ = 	snop  }
0x3c: {  	p2 =	seq.s32 s10, $0x1;
	s10 =	sld [smem:$0x3FB4]  }
0x3d: {  	_ =	shalt  }
0x3e: {  	_ =	shalt  }
0x3f: {  	_ =	shalt  }
0x40: {  	_ =	shalt  }
0x41: {  	_ =	shalt  }
0x42: {  	_ =	shalt  }
0x43: {  	_ =	shalt  }
0x44: {  	_ =	shalt  }
0x45: {  	_ =	shalt  }
0x46: {  	_ =	shalt  }
0x47: {  	_ =	shalt  }
0x48: {  	_ =	shalt  }
0x49: {  	_ =	shalt  }
0x4a: {  	_ =	shalt  }
0x4b: {  	_ =	shalt  }
0x4c: {  	_ =	shalt  }
0x4d: {  	_ =	shalt  }
0x4e: {  	_ =	shalt  }
0x4f: {  	_ =	shalt  }
0x50: {  	_ =	shalt  }
0x51: {  	_ =	shalt  }
0x52: {  	_ =	shalt  }
0x53: {  	_ =	shalt  }
0x54: {  	_ =	shalt  }
0x55: {  	_ =	shalt  }
0x56: {  	_ =	shalt  }
0x57: {  	_ =	shalt  }
0x58: {  	_ =	shalt  }
0x59: {  	_ =	shalt  }
0x5a: {  	_ =	shalt  }
0x5b: {  	_ =	shalt  }
0x5c: {  	_ =	shalt  }
0x5d: {  	_ =	shalt  }
0x5e: {  	_ =	shalt  }
0x5f: {  	_ =	shalt  }
0x60: {  	_ =	shalt  }
0x61: {  	_ =	shalt  }
0x62: {  	_ =	shalt  }
0x63: {  	_ =	shalt  }
0x64: {  	_ =	shalt  }
0x65: {  	_ =	shalt  }
0x66: {  	_ =	shalt  }
0x67: {  	_ =	shalt  }
0x68: {  	_ =	shalt  }
0x69: {  	_ =	shalt  }
0x6a: {  	_ =	shalt  }
0x6b: {  	_ =	shalt  }
0x6c: {  	_ =	shalt  }
0x6d: {  	_ =	shalt  }
0x6e: {  	_ =	shalt  }
0x6f: {  	_ =	shalt  }
0x70: {  	_ =	shalt  }
0x71: {  	_ =	shalt  }
0x72: {  	_ =	shalt  }
0x73: {  	_ =	shalt  }
0x74: {  	_ =	shalt  }
0x75: {  	_ =	shalt  }
0x76: {  	_ =	shalt  }
0x77: {  	_ =	shalt  }
0x78: {  	_ =	shalt  }
0x79: {  	_ =	shalt  }
0x7a: {  	_ =	shalt  }
0x7b: {  	_ =	shalt  }
0x7c: {  	_ =	shalt  }
0x7d: {  	_ =	shalt  }
0x7e: {  	_ =	shalt  }
0x7f: {  	_ =	shalt  }
0x80: {  	_ =	shalt  }
0x81: {  	_ =	shalt  }
0x82: {  	_ =	shalt  }
0x83: {  	_ =	shalt  }
0x84: {  	_ =	shalt  }
0x85: {  	_ =	shalt  }
0x86: {  	_ =	shalt  }
0x87: {  	_ =	shalt  }
.Lfunc_end0:
.L_simem_size_0:
called_computation_lowered:
.L_overlay_start_0:
0x88: {  	s2 =	sld [smem:$0x3FD9]  }
0x89: {  	s3 =	sld [smem:$0x3FFE];
	_ =	sdelay $0x1  }
0x8a: {  	s1 =	srdreg.scid  }
0x8b: {  	s0 =	sand.u32 $0x1, s1  }
0x8c: {  	s14 =	sshll.u32 s0, $0xA;
	s2 =	sadd.s32 s3, s2  }
0x8d: {  	s2 =	sadd.s32 s2, s14  }
0x8e: {  	[smem:$0x3FC0] =	sst s2  }
0x8f: {  	_ = 	snop  }
0x90: {  	s2 =	sld [smem:$0x3FD0];
	_ =	sdelay $0x1  }
0x91: {  	s15 =	sld [smem:$0x3FC9]  }
0x92: {  	s5 =	simm.s32 $0xA;
	s6 =	simm.s32 $0x10;
	s4 =	sld [smem:$0x3FC8]  }
0x93: {  	[smem:s6], [sflag:s5] =	dma.local [hbm:s2], $0x1  }
0x94: {  	_ =	swait.eq [sflag:s5], $0x1  }
0x95: {  	s16 =	sld [smem:$0x10];
	[sflag:s5] =	ssyncset.done $0x0  }
0x96: {  	s17 =	sld [smem:$0x11];
	[sflag:s5] =	ssyncadd.s32 $0xFFFFFFFF  }
0x97: {  	s18 =	sld [smem:$0x12];
	(tm) =	ssettm $0x1  }
0x98: {  	s7 =	sld [smem:$0x3FFB];
	_ =	sdelay $0x3  }
0x99: {  	_ =	strace s7  }
0x9a: {  	s7 =	sld [smem:$0x3FFC];
	_ =	sdelay $0x3  }
0x9b: {  	_ =	strace s7  }
0x9c: {  	s7 =	sld [smem:$0x3FFD];
	_ =	sdelay $0x3  }
0x9d: {  	_ =	strace s7  }
0x9e: {  	_ =	strace $0x8FFFFFFF  }
0x9f: {  	s19 =	sld [smem:$0x3FDB];
	_ =	sdelay $0x1  }
0xa0: {  	s8 =	simm.s32 $_scs_section_size  }
0xa1: {  	s9 =	simm.s32 $_size__tile_overlayer_lowered;
	s10 =	simm.s32 $_tile_overlayer_lowered  }
0xa2: {  	s22 =	simm.s32 $0x1BFF;
	s21 =	sshll.u32 s10, $0x1;
	s7 =	sadd.s32 s8, s19  }
0xa3: {  	s11 =	simm.s32 $0x0;
	s20 =	sshll.u32 s9, $0x1;
	s9 =	sadd.s32 s21, s7  }
0xa4: {  	[timem:s11], [sflag:s22] =	dma.local [hbm:s9], s20  }
0xa5: {  	_ =	swait.ge [sflag:s22], s20  }
0xa6: {  	s8 =	ssub.s32 $0x0, s20;
	[sflag:s22] =	ssyncset.done $0x0  }
0xa7: {  	[sflag:s22] =	ssyncadd.s32 s8;
	_ =	sdelay $0x1  }
0xa8: {  	s23 =	simm.s32 $0x1B8B  }
0xa9: {  	_ =	swait.ge [sflag:s23], $0x1  }
0xaa: {  	[sflag:s23] =	ssyncset.done $0x0  }
0xab: {  	s25 =	simm.s32 $0x1B8E;
	s24 =	sld [smem:$0x3FFE];
	[sflag:s23] =	ssyncadd.s32 $0xFFFFFFFF  }
0xac: {  	s26 =	simm.s32 $execute0_lowered;
	[smem:$0x3FD2] =	sst s25  }
0xad: {  	s9 =	sshll.u32 s26, $0x1;
	_ =	strace $0x80000046;
	[dreg:$0x1] =	wrdreg $0xFFFFFFFF  }
0xae: {  	s28 =	simm.s32 $_size_execute0_lowered;
	s7 =	sadd.s32 s7, s9;
	[dreg:$0x0] =	wrdreg $0x0  }
0xaf: {  	s9 =	sshll.u32 s28, $0x1;
	[dreg:$0x2] =	wrdreg s7  }
0xb0: {  	[dreg:$0x3] =	wrdreg s9  }
0xb1: {  	[dreg:$0x4] =	wrdreg $0xC0  }
0xb2: {  	_ =	task [dreg:s11], $0x5FFFF  }
0xb3: {  	[dreg:$0x1] =	wrdreg $0xFFFFFFFF  }
0xb4: {  	[dreg:$0x0] =	wrdreg $0x60  }
0xb5: {  	[dreg:$0x2] =	wrdreg s17  }
0xb6: {  	[dreg:$0x3] =	wrdreg s24  }
0xb7: {  	[dreg:$0x4] =	wrdreg s15  }
0xb8: {  	[dreg:$0x5] =	wrdreg s4  }
0xb9: {  	[dreg:$0x6] =	wrdreg s18  }
0xba: {  	[dreg:$0x7] =	wrdreg s16  }
0xbb: {  	[dreg:$0x8] =	wrdreg $0x9  }
0xbc: {  	_ =	task.clear_ibuf [dreg:s11], $0x9FFFF;
	_ =	strace $0x90000046  }
0xbd: {  	s29 =	simm.s32 $0x9;
	_ =	strace $0x80000048  }
0xbe: {  	_ =	swait.ge [sflag:s29], $0x1  }
0xbf: {  	[sflag:s29] =	ssyncadd.s32 $0xFFFFFFFF  }
0xc0: {  	_ =	strace $0x90000048  }
0xc1: {  	_ =	sfence  }
0xc2: {  	s30 =	sld [smem:$0x0];
	_ =	sdelay $0x2  }
0xc3: {  	s31 =	sshll.u32 s1, $0xD;
	s1 =	sshrl.u32 s1, $0x2  }
0xc4: {  	s3 =	sand.u32 $0x4000, s31;
	s1 =	sadd.s32 s1, s30  }
0xc5: {  	s0 =	sor.u32 s3, s0;
	s1 =	sshll.u32 s1, $0x11  }
0xc6: {  	s0 =	sor.u32 s1, s0  }
0xc7: {  	s0 =	sadd.s32 $0x8F2B, s0  }
0xc8: {  	[sflag:s0] =	ssyncadd.remote.s32 $0x1  }
0xc9: {  	_ =	sfence.sel $0xFFFF  }
0xca: {  	[dreg:$0x0] =	wrdreg $0xFFFFFFFF;
	(pc) =	sbr.abs _section_cstart, $3  }
0xcb: {  	[dreg:$0x1] =	wrdreg $0xFFFFFFFF  }
0xcc: {  	_ =	task.clear_ibuf [dreg:s11], $0x2FFFF;
	_ =	strace $0x9FFFFFFF  }
0xcd: {  	(tm) =	ssettm $0x7FFFFFFF  }
tec
execute0_lowered:
.L_overlay_start_1:
0x0: {  	(tag) =	ssettag $0x1  }
0x1: {  	s0 =	rddreg [dreg:$0x1]  }
0x2: {  	s2 =	rddreg [dreg:$0x2]  }
0x3: {  	s3 =	rddreg [dreg:$0x3]  }
0x4: {  	s4 =	rddreg [dreg:$0x4]  }
0x5: {  	s5 =	srdreg.scid;
	s6 =	stileid.u32;
	s1 =	simm.s32 $0x0  }
0x6: {  	s31 =	simm.s32 $0x1;
	s5 =	sand.u32 $0x1, s5;
	s6 =	sshll.u32 s6, $0x1  }
0x7: {  	[smem:$0x7FF] =	sst s1;
	s6 =	sor.u32 s5, s6;
	s5 =	ssub.s32 $0x2, s5  }
0x8: {  	s7 =	sadd.s32 $0x2400, s0;
	s28 =	sadd.s32 $0x1E00, s0;
	s8 =	sshrl.u32 s5, $0x1  }
0x9: {  	s9 =	sshll.u32 s6, $0x6;
	s6 =	sshll.u32 s6, $0x1;
	s5 =	ssub.s32 s5, s8  }
0xa: {  	s2 =	sadd.s32 s2, s9;
	s14 =	sadd.s32 s3, s9;
	s15 =	sor.u32 $0x800, s9  }
0xb: {  	s16 =	sor.u32 $0x1000, s9;
	s20 =	sor.u32 $0x1800, s9;
	s21 =	sor.u32 $0x2000, s9  }
0xc: {  	s23 =	sor.u32 $0x2800, s9;
	s24 =	sor.u32 $0x3000, s9;
	s25 =	sor.u32 $0x3800, s9  }
0xd: {  	s26 =	sor.u32 $0x4000, s9;
	s8 =	sor.u32 $0x4800, s9;
	[dreg:$0x7] =	wrdreg s2  }
0xe: {  	[dreg:$0x8] =	wrdreg s14;
	s17 =	sadd.s32 s4, s15;
	s2 =	sadd.s32 s7, s15  }
0xf: {  	s18 =	sadd.s32 s4, s16;
	s19 =	sadd.s32 s7, s16;
	s22 =	sadd.s32 s4, s20  }
0x10: {  	s10 =	sadd.s32 s4, s21;
	s11 =	sadd.s32 s7, s21;
	s12 =	sadd.s32 s4, s23  }
0x11: {  	s13 =	sadd.s32 s7, s23;
	s14 =	sadd.s32 s4, s24;
	[dreg:$0x9] =	wrdreg s17  }
0x12: {  	s15 =	sadd.s32 s7, s24;
	s16 =	sadd.s32 s4, s25;
	[dreg:$0xa] =	wrdreg s2  }
0x13: {  	s23 =	sadd.s32 s4, s8;
	s24 =	sadd.s32 s7, s8;
	[dreg:$0xb] =	wrdreg s18  }
0x14: {  	s21 =	sadd.s32 s6, s0;
	s30 =	smax.u32 s5, $0x1;
	[dreg:$0xc] =	wrdreg s19  }
0x15: {  	s0 =	simm.s32 $0x400;
	[dreg:$0xd] =	wrdreg s22;
	s2 =	sadd.s32 s7, s20  }
0x16: {  	s17 =	sadd.s32 s7, s25;
	s18 =	sadd.s32 s4, s26;
	s19 =	sadd.s32 s7, s26  }
0x17: {  	s22 =	sadd.s32 s4, s9;
	s20 =	rddreg [dreg:$0x5];
	s25 =	sadd.s32 s7, s9  }
0x18: {  	s29 =	sadd.s32 $0x7400, s21;
	s21 =	simm.s32 $0x0;
	[dreg:$0xe] =	wrdreg s2  }
0x19: {  	s26 =	sadd.s32 s20, s9;
	s20 =	simm.s32 $0x2C00;
	_ =	strace $0x80000047  }
.LBB2_1:
0x1a: {  	s2 =	rddreg [dreg:$0x7]  }
0x1b: {  	[tilespmem:s1], [sflag:$0x1] =	stream.linear.gather [hbm4b:s2+s1], $0x200, $0x38;
	[tilespmem:$0x7E80] =	vst v63  }
0x1c: {  	_ =	swait.ge [sflag:s31], $0x200  }
0x1d: {  	[sflag:s31] =	ssyncset.done $0x0  }
0x1e: {  	s3 =	simm.s32 $0x200;
	s8 =	rddreg [dreg:$0x8];
	[sflag:s31] =	ssyncadd.s32 $0xFFFFFE00  }
0x1f: {  	[tilespmem:s3], [sflag:$0x1] =	stream.linear.gather [hbm4b:s8+s1], $0x200, $0x38;
	[tilespmem:$0x7E80] =	vst v63  }
0x20: {  	_ =	swait.ge [sflag:s31], $0x200  }
0x21: {  	[sflag:s31] =	ssyncset.done $0x0  }
0x22: {  	[sflag:s31] =	ssyncadd.s32 $0xFFFFFE00  }
0x23: {  	s9 =	rddreg [dreg:$0x0]  }
0x24: {  	[tilespmem:s0], [sflag:$0x1] =	stream.linear.gather [hbm4b:s9+s1], $0x2800, $0x38;
	[tilespmem:$0x7E80] =	vst v63  }
0x25: {  	_ =	swait.ge [sflag:s31], $0x2800  }
0x26: {  	[sflag:s31] =	ssyncset.done $0x0  }
0x27: {  	[sflag:s31] =	ssyncadd.s32 $0xFFFFD800  }
0x28: {  	[tilespmem:s20], [sflag:$0x1] =	stream.linear.gather [hbm4b:s28+s1], $0x2800, $0x38;
	[tilespmem:$0x7E80] =	vst v63  }
0x29: {  	_ =	swait.ge [sflag:s31], $0x2800  }
0x2a: {  	s6 =	simm.s32 $0x6800;
	[sflag:s31] =	ssyncset.done $0x0  }
0x2b: {  	v0 =	vimm.f32 $0.0e+00;
	s7 =	simm.s32 $0x5400;
	s4 =	simm.s32 $0x0;
	[sflag:s31] =	ssyncadd.s32 $0xFFFFD800  }
.LBB2_2:
0x2c: {  	s5 =	sshll.u32 s4, $0x4  }
0x2d: {  	v1 =	vld [tilespmem:s5+$0x0]  }
0x2e: {  	v3 =	vld [tilespmem:s5+$0x200];
	_ =	sdelay $0x6  }
0x2f: {  	v5 =	vld.idx.msk [tilespmem:v1+s0+$0x0], $0xffff  }
0x30: {  	v8 =	vld.idx.msk [tilespmem:v3+s20+$0x0], $0xffff  }
0x31: {  	s2 =	simm.s32 $0x0;
	v2 =	vadd.s32 $0x400, v1  }
0x32: {  	v4 =	vadd.s32 $0x400, v3;
	v6 =	vadd.s32 s2, v2  }
0x33: {  	v7 =	vadd.s32 s2, v4;
	_ =	sdelay $0x1  }
0x34: {  	s8 =	simm.s32 $0x400;
	v1 =	vimm.f32 $0.0e+00;
	v9 =	vmul.f32 v5, v5;
	[tilespmem:s7+$0x0] =	vst v5;
	v3 =	vmul.f32 v8, v5  }
0x35: {  	s9 =	simm.s32 $0x800;
	s3 =	smov.u32 s7;
	s2 =	smov.u32 s6;
	v10 =	vmul.f32 v8, v8;
	v5 =	vimm.f32 $0.0e+00;
	[tilespmem:s6+$0x0] =	vst v8;
	v8 =	vimm.f32 $0.0e+00  }
.LBB2_3:
0x36: {  	p0 =	sne.s32 s9, $0x2400;
	v11 =	vld.idx.msk [tilespmem:v6+s0+$0x0], $0xffff;
	v5 =	vadd.f32 v9, v5  }
0x37: {  	v12 =	vld.idx.msk [tilespmem:v7+s20+$0x0], $0xffff;
	v1 =	vadd.f32 v3, v1;
	v8 =	vadd.f32 v10, v8;
	_ =	sdelay $0x1  }
.Ltmp0:
0x38: {  	v6 =	vadd.s32 s8, v2;
	(pc) =	sbr.rel @p0 .LBB2_3-.Ltmp0, $4  }
0x39: {  	v7 =	vadd.s32 s8, v4;
	s8 =	smov.u32 s9  }
0x3a: {  	s3 =	sadd.s32 $0x200, s3  }
0x3b: {  	s2 =	sadd.s32 $0x200, s2;
	v9 =	vmul.f32 v11, v11;
	[tilespmem:s3+$0x0] =	vst v11  }
0x3c: {  	s9 =	sadd.s32 $0x400, s9;
	v3 =	vmul.f32 v12, v11;
	v10 =	vmul.f32 v12, v12;
	[tilespmem:s2+$0x0] =	vst v12  }
0x3d: {  	_ =	sdelay $0x3  }
0x3e: {  	v2 =	vld.idx.msk [tilespmem:v6+s0+$0x0], $0xffff  }
0x3f: {  	v4 =	vld.idx.msk [tilespmem:v7+s20+$0x0], $0xffff;
	_ =	sdelay $0x3  }
0x40: {  	v5 =	vadd.f32 v9, v5  }
0x41: {  	v58 =	vadd.f32 v10, v8;
	v59 =	vmul.f32 v2, v2;
	v60 =	vmul.f32 v4, v4;
	_ =	sdelay $0x1  }
0x42: {  	v5 =	vadd.f32 v59, v5;
	v6 =	vadd.f32 v60, v58;
	_ =	sdelay $0x1  }
0x43: {  	v7 =	vmul.f32 v6, v5;
	_ =	sdelay $0x1  }
0x44: {  	v7 =	vmax.f32 v7, $1.000000020e-16  }
0x45: {  	v61 =	vshrl.u32 v7, $0x1;
	v7 =	vmul.f32 $5.000000000e-01, v7  }
0x46: {  	v8 =	vsub.s32 $0x5F3759DF, v61  }
0x47: {  	v62 =	vmul.f32 v8, v7;
	_ =	sdelay $0x1  }
0x48: {  	v9 =	vmul.f32 v8, v62;
	_ =	sdelay $0x1  }
0x49: {  	v9 =	vsub.f32 $1.500000000e+00, v9;
	_ =	sdelay $0x1  }
0x4a: {  	v8 =	vmul.f32 v8, v9;
	_ =	sdelay $0x1  }
0x4b: {  	v9 =	vmul.f32 v8, v7;
	_ =	sdelay $0x1  }
0x4c: {  	v9 =	vmul.f32 v9, v8;
	_ =	sdelay $0x1  }
0x4d: {  	v9 =	vsub.f32 $1.500000000e+00, v9;
	_ =	sdelay $0x1  }
0x4e: {  	v8 =	vmul.f32 v9, v8;
	_ =	sdelay $0x1  }
0x4f: {  	v7 =	vmul.f32 v8, v7;
	_ =	sdelay $0x1  }
0x50: {  	v1 =	vadd.f32 v3, v1;
	v3 =	vmul.f32 v4, v2;
	v7 =	vmul.f32 v7, v8;
	_ =	sdelay $0x1  }
0x51: {  	s4 =	sadd.s32 $0x1, s4;
	v1 =	vadd.f32 v3, v1;
	v3 =	vsub.f32 $1.500000000e+00, v7  }
0x52: {  	p0 =	sne.s32 s4, $0x20  }
.Ltmp1:
0x53: {  	v5 =	vadd.f32 v6, v5;
	v63 =	vadd.f32 v1, v1;
	v3 =	vmul.f32 v3, v8;
	(pc) =	sbr.rel @p0 .LBB2_2-.Ltmp1, $4  }
0x54: {  	s3 =	sadd.s32 $0x200, s3  }
0x55: {  	s2 =	sadd.s32 $0x200, s2;
	[tilespmem:s3+$0x0] =	vst v2;
	v2 =	vsub.f32 v5, v63;
	v1 =	vmul.f32 v3, v1  }
0x56: {  	[tilespmem:s2+$0x0] =	vst v4  }
0x57: {  	s7 =	sadd.s32 $0x10, s7;
	s6 =	sadd.s32 $0x10, s6;
	v0 =	vadd.f32 v2, v0;
	[tilespmem:s5+$0x7C00] =	vst v1  }
0x58: {  	_ = 	snop  }
0x59: {  	s2 =	simm.s32 $0x5400;
	[tilespmem:$0x7E00] =	vst v0  }
0x5a: {  	[hbm4b:s22+s1] =	stream.linear.scatter [tilespmem:s2], [sflag:$0x1], $0x200, $0x38;
	[tilespmem:$0x7E80] =	vst v63  }
0x5b: {  	_ =	swait.ge [sflag:s31], $0x200  }
0x5c: {  	[sflag:s31] =	ssyncset.done $0x0  }
0x5d: {  	s4 =	simm.s32 $0x6800;
	[sflag:s31] =	ssyncadd.s32 $0xFFFFFE00  }
0x5e: {  	[hbm4b:s25+s1] =	stream.linear.scatter [tilespmem:s4], [sflag:$0x1], $0x200, $0x38;
	[tilespmem:$0x7E80] =	vst v63  }
0x5f: {  	_ =	swait.ge [sflag:s31], $0x200  }
0x60: {  	[sflag:s31] =	ssyncset.done $0x0  }
0x61: {  	s3 =	simm.s32 $0x5600;
	s5 =	rddreg [dreg:$0x9];
	[sflag:s31] =	ssyncadd.s32 $0xFFFFFE00  }
0x62: {  	[hbm4b:s5+s1] =	stream.linear.scatter [tilespmem:s3], [sflag:$0x1], $0x200, $0x38;
	[tilespmem:$0x7E80] =	vst v63  }
0x63: {  	_ =	swait.ge [sflag:s31], $0x200  }
0x64: {  	[sflag:s31] =	ssyncset.done $0x0  }
0x65: {  	s7 =	simm.s32 $0x6A00;
	s6 =	rddreg [dreg:$0xa];
	[sflag:s31] =	ssyncadd.s32 $0xFFFFFE00  }
0x66: {  	[hbm4b:s6+s1] =	stream.linear.scatter [tilespmem:s7], [sflag:$0x1], $0x200, $0x38;
	[tilespmem:$0x7E80] =	vst v63  }
0x67: {  	_ =	swait.ge [sflag:s31], $0x200  }
0x68: {  	[sflag:s31] =	ssyncset.done $0x0  }
0x69: {  	s9 =	simm.s32 $0x5800;
	s8 =	rddreg [dreg:$0xb];
	[sflag:s31] =	ssyncadd.s32 $0xFFFFFE00  }
0x6a: {  	[hbm4b:s8+s1] =	stream.linear.scatter [tilespmem:s9], [sflag:$0x1], $0x200, $0x38;
	[tilespmem:$0x7E80] =	vst v63  }
0x6b: {  	_ =	swait.ge [sflag:s31], $0x200  }
0x6c: {  	[sflag:s31] =	ssyncset.done $0x0  }
0x6d: {  	s5 =	simm.s32 $0x6C00;
	s4 =	rddreg [dreg:$0xc];
	[sflag:s31] =	ssyncadd.s32 $0xFFFFFE00  }
0x6e: {  	[hbm4b:s4+s1] =	stream.linear.scatter [tilespmem:s5], [sflag:$0x1], $0x200, $0x38;
	[tilespmem:$0x7E80] =	vst v63  }
0x6f: {  	_ =	swait.ge [sflag:s31], $0x200  }
0x70: {  	[sflag:s31] =	ssyncset.done $0x0  }
0x71: {  	s7 =	simm.s32 $0x5A00;
	s6 =	rddreg [dreg:$0xd];
	[sflag:s31] =	ssyncadd.s32 $0xFFFFFE00  }
0x72: {  	[hbm4b:s6+s1] =	stream.linear.scatter [tilespmem:s7], [sflag:$0x1], $0x200, $0x38;
	[tilespmem:$0x7E80] =	vst v63  }
0x73: {  	_ =	swait.ge [sflag:s31], $0x200  }
0x74: {  	[sflag:s31] =	ssyncset.done $0x0  }
0x75: {  	s9 =	simm.s32 $0x6E00;
	s8 =	rddreg [dreg:$0xe];
	[sflag:s31] =	ssyncadd.s32 $0xFFFFFE00  }
0x76: {  	[hbm4b:s8+s1] =	stream.linear.scatter [tilespmem:s9], [sflag:$0x1], $0x200, $0x38;
	[tilespmem:$0x7E80] =	vst v63  }
0x77: {  	_ =	swait.ge [sflag:s31], $0x200  }
0x78: {  	[sflag:s31] =	ssyncset.done $0x0  }
0x79: {  	s3 =	simm.s32 $0x5C00;
	[sflag:s31] =	ssyncadd.s32 $0xFFFFFE00  }
0x7a: {  	[hbm4b:s10+s1] =	stream.linear.scatter [tilespmem:s3], [sflag:$0x1], $0x200, $0x38;
	[tilespmem:$0x7E80] =	vst v63  }
0x7b: {  	_ =	swait.ge [sflag:s31], $0x200  }
0x7c: {  	[sflag:s31] =	ssyncset.done $0x0  }
0x7d: {  	s4 =	simm.s32 $0x7000;
	[sflag:s31] =	ssyncadd.s32 $0xFFFFFE00  }
0x7e: {  	[hbm4b:s11+s1] =	stream.linear.scatter [tilespmem:s4], [sflag:$0x1], $0x200, $0x38;
	[tilespmem:$0x7E80] =	vst v63  }
0x7f: {  	_ =	swait.ge [sflag:s31], $0x200  }
0x80: {  	[sflag:s31] =	ssyncset.done $0x0  }
0x81: {  	s5 =	simm.s32 $0x5E00;
	[sflag:s31] =	ssyncadd.s32 $0xFFFFFE00  }
0x82: {  	[hbm4b:s12+s1] =	stream.linear.scatter [tilespmem:s5], [sflag:$0x1], $0x200, $0x38;
	[tilespmem:$0x7E80] =	vst v63  }
0x83: {  	_ =	swait.ge [sflag:s31], $0x200  }
0x84: {  	[sflag:s31] =	ssyncset.done $0x0  }
0x85: {  	s6 =	simm.s32 $0x7200;
	[sflag:s31] =	ssyncadd.s32 $0xFFFFFE00  }
0x86: {  	[hbm4b:s13+s1] =	stream.linear.scatter [tilespmem:s6], [sflag:$0x1], $0x200, $0x38;
	[tilespmem:$0x7E80] =	vst v63  }
0x87: {  	_ =	swait.ge [sflag:s31], $0x200  }
0x88: {  	[sflag:s31] =	ssyncset.done $0x0  }
0x89: {  	s7 =	simm.s32 $0x6000;
	[sflag:s31] =	ssyncadd.s32 $0xFFFFFE00  }
0x8a: {  	[hbm4b:s14+s1] =	stream.linear.scatter [tilespmem:s7], [sflag:$0x1], $0x200, $0x38;
	[tilespmem:$0x7E80] =	vst v63  }
0x8b: {  	_ =	swait.ge [sflag:s31], $0x200  }
0x8c: {  	[sflag:s31] =	ssyncset.done $0x0  }
0x8d: {  	s8 =	simm.s32 $0x7400;
	[sflag:s31] =	ssyncadd.s32 $0xFFFFFE00  }
0x8e: {  	[hbm4b:s15+s1] =	stream.linear.scatter [tilespmem:s8], [sflag:$0x1], $0x200, $0x38;
	[tilespmem:$0x7E80] =	vst v63  }
0x8f: {  	_ =	swait.ge [sflag:s31], $0x200  }
0x90: {  	[sflag:s31] =	ssyncset.done $0x0  }
0x91: {  	s9 =	simm.s32 $0x6200;
	[sflag:s31] =	ssyncadd.s32 $0xFFFFFE00  }
0x92: {  	[hbm4b:s16+s1] =	stream.linear.scatter [tilespmem:s9], [sflag:$0x1], $0x200, $0x38;
	[tilespmem:$0x7E80] =	vst v63  }
0x93: {  	_ =	swait.ge [sflag:s31], $0x200  }
0x94: {  	[sflag:s31] =	ssyncset.done $0x0  }
0x95: {  	s3 =	simm.s32 $0x7600;
	[sflag:s31] =	ssyncadd.s32 $0xFFFFFE00  }
0x96: {  	[hbm4b:s17+s1] =	stream.linear.scatter [tilespmem:s3], [sflag:$0x1], $0x200, $0x38;
	[tilespmem:$0x7E80] =	vst v63  }
0x97: {  	_ =	swait.ge [sflag:s31], $0x200  }
0x98: {  	[sflag:s31] =	ssyncset.done $0x0  }
0x99: {  	s4 =	simm.s32 $0x6400;
	[sflag:s31] =	ssyncadd.s32 $0xFFFFFE00  }
0x9a: {  	[hbm4b:s18+s1] =	stream.linear.scatter [tilespmem:s4], [sflag:$0x1], $0x200, $0x38;
	[tilespmem:$0x7E80] =	vst v63  }
0x9b: {  	_ =	swait.ge [sflag:s31], $0x200  }
0x9c: {  	[sflag:s31] =	ssyncset.done $0x0  }
0x9d: {  	s5 =	simm.s32 $0x7800;
	[sflag:s31] =	ssyncadd.s32 $0xFFFFFE00  }
0x9e: {  	[hbm4b:s19+s1] =	stream.linear.scatter [tilespmem:s5], [sflag:$0x1], $0x200, $0x38;
	[tilespmem:$0x7E80] =	vst v63  }
0x9f: {  	_ =	swait.ge [sflag:s31], $0x200  }
0xa0: {  	[sflag:s31] =	ssyncset.done $0x0  }
0xa1: {  	s6 =	simm.s32 $0x6600;
	[sflag:s31] =	ssyncadd.s32 $0xFFFFFE00  }
0xa2: {  	[hbm4b:s23+s1] =	stream.linear.scatter [tilespmem:s6], [sflag:$0x1], $0x200, $0x38;
	[tilespmem:$0x7E80] =	vst v63  }
0xa3: {  	_ =	swait.ge [sflag:s31], $0x200  }
0xa4: {  	[sflag:s31] =	ssyncset.done $0x0  }
0xa5: {  	s7 =	simm.s32 $0x7A00;
	[sflag:s31] =	ssyncadd.s32 $0xFFFFFE00  }
0xa6: {  	[hbm4b:s24+s1] =	stream.linear.scatter [tilespmem:s7], [sflag:$0x1], $0x200, $0x38;
	[tilespmem:$0x7E80] =	vst v63  }
0xa7: {  	_ =	swait.ge [sflag:s31], $0x200  }
0xa8: {  	[sflag:s31] =	ssyncset.done $0x0  }
0xa9: {  	s8 =	simm.s32 $0x7C00;
	[sflag:s31] =	ssyncadd.s32 $0xFFFFFE00  }
0xaa: {  	[hbm4b:s26+s1] =	stream.linear.scatter [tilespmem:s8], [sflag:$0x1], $0x200, $0x38;
	[tilespmem:$0x7E80] =	vst v63  }
0xab: {  	s21 =	sadd.s32 $0x1, s21;
	_ =	swait.ge [sflag:s31], $0x200  }
0xac: {  	p0 =	sne.s32 s21, s30;
	[sflag:s31] =	ssyncset.done $0x0  }
.Ltmp2:
0xad: {  	s9 =	simm.s32 $0x7E00;
	[sflag:s31] =	ssyncadd.s32 $0xFFFFFE00;
	(pc) =	sbr.rel @p0 .LBB2_1-.Ltmp2, $4  }
0xae: {  	[hbm4b:s29+s1] =	stream.linear.scatter [tilespmem:s9], [sflag:$0x1], $0x10, $0x38;
	[tilespmem:$0x7E80] =	vst v63  }
0xaf: {  	_ =	swait.ge [sflag:s31], $0x10  }
0xb0: {  	[sflag:s31] =	ssyncset.done $0x0  }
0xb1: {  	[sflag:s31] =	ssyncadd.s32 $0xFFFFFFF0  }
0xb2: {  	_ =	sfence.sel $0x180000  }
0xb3: {  	[bflag:$0x0] =	sbarrier.arrive $0xFFFF  }
0xb4: {  	_ =	strace $0x90000047  }
0xb5: {  	s0 =	stileid.u32;
	[bflag:$0x2] =	sbarrier.arrive $0xFFFF  }
0xb6: {  	p0 =	sne.s32 s0, $0x0;
	s0 =	rddreg [dreg:$0x6]  }
0xb7: {  	s0 =	sadd.s32 @!p0 $0x100000, s0  }
0xb8: {  	[sflag:s0] =	ssyncadd.tile.s32 @!p0 $0x1;
	_ =	shalt  }
.Lfunc_end2:
_tile_overlayer_lowered:
.L_overlay_start_2:
0xb9: {  	(tag) =	ssettag $0x2  }
0xba: {  	s0 =	rddreg [dreg:$0x0];
	s2 =	stileid.u32  }
0xbb: {  	s1 =	rddreg [dreg:$0x1];
	p0 =	sne.s32 s2, $0x0  }
0xbc: {  	s3 =	rddreg [dreg:$0x2];
	[bflag:$0x3] =	sbarrier.arrive $0xFFFF;
	s2 =	simm.s32 @!p0 $0x1C01  }
0xbd: {  	[timem:s3], [sflag:s2] =	dma.local @!p0 [hbm:s0], s1  }
0xbe: {  	s0 =	simm.s32 @!p0 $0x1  }
0xbf: {  	_ =	swait.ge @!p0 [sflag:s0], s1  }
0xc0: {  	s1 =	ssub.s32 @!p0 $0x0, s1;
	[sflag:s0] =	ssyncset.done @!p0 $0x0  }
0xc1: {  	[sflag:s0] =	ssyncadd.s32 @!p0 s1  }
0xc2: {  	[bflag:$0x3] =	sbarrier.arrive $0xFFFF  }
0xc3: {  	_ =	shalt  }

</sc_bundles>
